<compile_context>
chip_gen: v7x
topology: tpu7x:2x2x1
jax: 0.10.2.dev20260603
libtpu: 0.0.44.dev20260713+nightly
codegen_flags: <defaults>
</compile_context>

<pallas_src>
import functools

import numpy as np
import jax
import jax.numpy as jnp
from jax import lax
from jax.experimental import pallas as pl
from jax.experimental.pallas import tpu as pltpu
from jax.experimental.pallas import tpu_sc as plsc

_MIN_DISABLED = 4
_MAX_DISABLED = 16

_NUM_CORES = 2
_NUM_SUBCORES = 16
_LANES = 16
_CHUNK_ROWS = 32


def _disabled_tofs(tof_count: int) -> np.ndarray:
    rng = np.random.RandomState(0)
    disabled_count = int(rng.randint(_MIN_DISABLED, _MAX_DISABLED + 1))
    initial = int(rng.randint(0, tof_count))
    disabled = [initial]
    tof_list = rng.permutation(tof_count)
    tof_list = tof_list[tof_list != initial]
    for _ in range(disabled_count - 1):
        perm = rng.permutation(len(disabled))
        permuted = [disabled[i] for i in perm]
        opposite_found = False
        for cur in permuted:
            new_opp = (cur + tof_count // 2) % tof_count
            if new_opp not in disabled:
                disabled.append(int(new_opp))
                tof_list = tof_list[tof_list != new_opp]
                opposite_found = True
                break
        if not opposite_found:
            new_el = int(tof_list[0])
            tof_list = tof_list[tof_list != new_el]
            disabled.append(new_el)
    return np.asarray(disabled, dtype=np.int64)


def _disabled_windows(cols, disabled):
    windows = {}
    for c in sorted(int(c) for c in disabled):
        w0 = (c // _LANES) * _LANES
        windows.setdefault(w0, []).append(c - w0)
    return sorted((w0, tuple(ls)) for w0, ls in windows.items())


def _make_sc_call(rows, cols, windows):
    n_workers = _NUM_CORES * _NUM_SUBCORES
    rows_per_worker = rows // n_workers
    n_steps = rows_per_worker // _CHUNK_ROWS
    nbuf = 4
    dist = 2
    assert rows_per_worker % _CHUNK_ROWS == 0 and n_steps % nbuf == 0

    mesh = plsc.VectorSubcoreMesh(core_axis_name="c", subcore_axis_name="s")

    @functools.partial(
        pl.kernel,
        out_type=jax.ShapeDtypeStruct((rows, cols), jnp.float32),
        mesh=mesh,
        scratch_types=[
            pltpu.VMEM((_CHUNK_ROWS, cols), jnp.float32) for _ in range(nbuf)
        ]
        + [pltpu.SemaphoreType.DMA for _ in range(2 * nbuf)],
    )
    def sc_kernel(img_hbm, out_hbm, *bufs_and_sems):
        bufs = bufs_and_sems[:nbuf]
        isems = bufs_and_sems[nbuf : 2 * nbuf]
        osems = bufs_and_sems[2 * nbuf : 3 * nbuf]
        wid = lax.axis_index("s") * _NUM_CORES + lax.axis_index("c")
        row0 = wid * rows_per_worker

        def copy_in(step, b):
            return pltpu.make_async_copy(
                img_hbm.at[pl.ds(row0 + step * _CHUNK_ROWS, _CHUNK_ROWS)],
                bufs[b],
                isems[b],
            )

        def copy_out(step, b):
            return pltpu.make_async_copy(
                bufs[b],
                out_hbm.at[pl.ds(row0 + step * _CHUNK_ROWS, _CHUNK_ROWS)],
                osems[b],
            )

        lane_ids = lax.broadcasted_iota(jnp.int32, (_LANES,), 0)

        def zero_disabled(b):
            @pl.loop(0, _CHUNK_ROWS)
            def _rows(r):
                for w0, lanes in windows:
                    v = bufs[b][r, pl.ds(w0, _LANES)]
                    for l in lanes:
                        v = jnp.where(lane_ids == l, 0.0, v)
                    bufs[b][r, pl.ds(w0, _LANES)] = v

        for d in range(dist):
            copy_in(d, d).start()

        @pl.loop(0, n_steps, step=nbuf)
        def _body(step):
            for k in range(nbuf):
                i = step + k
                copy_in(i, k).wait()
                zero_disabled(k)
                copy_out(i, k).start()
                j = i + dist
                bj = (k + dist) % nbuf

                @pl.when(j < n_steps)
                def _refill():
                    @pl.when(j >= nbuf)
                    def _drain():
                        copy_out(j - nbuf, bj).wait()

                    copy_in(j, bj).start()

        for k in range(nbuf):
            copy_out(n_steps - nbuf + k, k).wait()

    return sc_kernel


def kernel(img) -> jnp.ndarray:
    rows, cols = img.shape
    disabled = _disabled_tofs(cols)
    windows = _disabled_windows(cols, disabled)
    sc_call = _make_sc_call(rows, cols, tuple(windows))
    return sc_call(img)

# --- scband reference (transcript-rebuilt; emitter-appended) ---
"""Pipeline reference for scband-disable-opposite-tofs-25494925869705 (READ-ONLY COPY).

The authoritative reference and input builder live on the scoring server;
editing this copy changes nothing except your own understanding.
"""

import jax, jax.numpy as jnp
import numpy as np

MIN_DISABLED = 4
MAX_DISABLED = 16


def _compute_disabled_tofs(tof_count, min_c, max_c, seed=0):
    # Deterministic replica of the torch module's randomized selection logic.
    rng = np.random.RandomState(seed)
    disabled_count = int(rng.randint(min_c, max_c + 1))
    initial = int(rng.randint(0, tof_count))
    disabled = [initial]
    tof_list = rng.permutation(tof_count)
    tof_list = tof_list[tof_list != initial]
    for _ in range(disabled_count - 1):
        perm = rng.permutation(len(disabled))
        permuted = [disabled[i] for i in perm]
        opposite_found = False
        for cur in permuted:
            new_opp = (cur + tof_count // 2) % tof_count
            if new_opp not in disabled:
                disabled.append(int(new_opp))
                tof_list = tof_list[tof_list != new_opp]
                opposite_found = True
                break
        if not opposite_found:
            new_el = int(tof_list[0])
            tof_list = tof_list[tof_list != new_el]
            disabled.append(new_el)
    assert min_c <= len(disabled) <= max_c
    return np.asarray(disabled, dtype=np.int64)


def setup_inputs(seed: int = 0) -> dict:
    key = jax.random.key(seed)
    img = jax.random.normal(key, (65536, 512), dtype=jnp.float32)
    return {"img": img}


def reference(img) -> jnp.ndarray:
    tof_count = img.shape[-1]
    disabled = _compute_disabled_tofs(tof_count, MIN_DISABLED, MAX_DISABLED, seed=0)
    disabled = jnp.asarray(disabled, dtype=jnp.int32)
    # img_copy[:, disabled_tofs] = 0.0  -> scatter-overwrite of whole columns
    out = img.at[:, disabled].set(0.0)
    return out

if __name__ == "__main__":
    import jax
    _d = setup_inputs()
    print(jax.jit(kernel)(*tuple(_d.values())))

</pallas_src>

<mosaic_0001>
#map = affine_map<(d0, d1) -> (0, 0)>
module attributes {stable_mosaic.version = 14 : i64} {
  func.func @sc_kernel(%arg0: i32, %arg1: i32, %arg2: memref<65536x512xf32, #tpu.memory_space<hbm>>, %arg3: memref<65536x512xf32, #tpu.memory_space<hbm>>, %arg4: memref<32x512xf32, #tpu.memory_space<vmem>>, %arg5: memref<32x512xf32, #tpu.memory_space<vmem>>, %arg6: memref<32x512xf32, #tpu.memory_space<vmem>>, %arg7: memref<32x512xf32, #tpu.memory_space<vmem>>, %arg8: memref<!tpu.dma_semaphore, #tpu.memory_space<semaphore_mem>>, %arg9: memref<!tpu.dma_semaphore, #tpu.memory_space<semaphore_mem>>, %arg10: memref<!tpu.dma_semaphore, #tpu.memory_space<semaphore_mem>>, %arg11: memref<!tpu.dma_semaphore, #tpu.memory_space<semaphore_mem>>, %arg12: memref<!tpu.dma_semaphore, #tpu.memory_space<semaphore_mem>>, %arg13: memref<!tpu.dma_semaphore, #tpu.memory_space<semaphore_mem>>, %arg14: memref<!tpu.dma_semaphore, #tpu.memory_space<semaphore_mem>>, %arg15: memref<!tpu.dma_semaphore, #tpu.memory_space<semaphore_mem>>) attributes {dimension_semantics = [#tpu.dimension_semantics<core_parallel>, #tpu.dimension_semantics<subcore_parallel>], iteration_bounds = array<i64: 2, 16>, scalar_prefetch = 0 : i64, scratch_operands = 12 : i64, tpu.core_type = #tpu.core_type<sc_vector_subcore>, window_params = [{transform_indices = #map}, {transform_indices = #map}]} {
    %mul3A = arith.constant 2 : i32
    %mul3A_0 = arith.muli %arg1, %mul3A : i32
    %add3A = arith.addi %mul3A_0, %arg0 : i32
    %mul3A_1 = arith.constant 2048 : i32
    %mul3A_2 = arith.muli %add3A, %mul3A_1 : i32
    %iota3A = tpu.iota {dimensions = array<i32: 0>} : vector<16xi32>
    %add3A_3 = arith.constant 0 : i32
    %add3A_4 = arith.addi %mul3A_2, %add3A_3 : i32
    %dma_start3A = arith.constant 0 : i32
    %dma_start3A_5 = tpu.memref_slice %arg2[%add3A_4, %dma_start3A] : memref<65536x512xf32, #tpu.memory_space<hbm>> -> memref<32x512xf32, #tpu.memory_space<hbm>>
    %dma_start3A_6 = arith.constant 0 : i32
    %dma_start3A_7 = tpu.memref_slice %arg2[%add3A_4, %dma_start3A_6] : memref<65536x512xf32, #tpu.memory_space<hbm>> -> memref<32x512xf32, #tpu.memory_space<hbm>>
    tpu.enqueue_dma source(%dma_start3A_7 : memref<32x512xf32, #tpu.memory_space<hbm>>) target(%arg4 : memref<32x512xf32, #tpu.memory_space<vmem>>) target_semaphore(%arg8 : memref<!tpu.dma_semaphore, #tpu.memory_space<semaphore_mem>>)
    %add3A_8 = arith.constant 32 : i32
    %add3A_9 = arith.addi %mul3A_2, %add3A_8 : i32
    %dma_start3A_10 = arith.constant 0 : i32
    %dma_start3A_11 = tpu.memref_slice %arg2[%add3A_9, %dma_start3A_10] : memref<65536x512xf32, #tpu.memory_space<hbm>> -> memref<32x512xf32, #tpu.memory_space<hbm>>
    %dma_start3A_12 = arith.constant 0 : i32
    %dma_start3A_13 = tpu.memref_slice %arg2[%add3A_9, %dma_start3A_12] : memref<65536x512xf32, #tpu.memory_space<hbm>> -> memref<32x512xf32, #tpu.memory_space<hbm>>
    tpu.enqueue_dma source(%dma_start3A_13 : memref<32x512xf32, #tpu.memory_space<hbm>>) target(%arg5 : memref<32x512xf32, #tpu.memory_space<vmem>>) target_semaphore(%arg9 : memref<!tpu.dma_semaphore, #tpu.memory_space<semaphore_mem>>)
    %scan3A = arith.constant 0 : i32
    %scan3A_14 = arith.constant 16 : i32
    %scan3A_15 = arith.addi %scan3A, %scan3A_14 : i32
    %scan3A_16 = arith.constant 1 : i32
    scf.for %scan3A_41 = %scan3A to %scan3A_15 step %scan3A_16  : i32 {
      %mul3A_42 = arith.constant 4 : i32
      %mul3A_43 = arith.muli %scan3A_41, %mul3A_42 : i32
      %add3A_44 = arith.constant 0 : i32
      %add3A_45 = arith.addi %add3A_44, %mul3A_43 : i32
      %add3A_46 = arith.constant 0 : i32
      %add3A_47 = arith.addi %add3A_45, %add3A_46 : i32
      %mul3A_48 = arith.constant 32 : i32
      %mul3A_49 = arith.muli %add3A_47, %mul3A_48 : i32
      %add3A_50 = arith.addi %mul3A_2, %mul3A_49 : i32
      %dma_wait3A_51 = arith.constant 0 : i32
      %dma_wait3A_52 = tpu.memref_slice %arg2[%add3A_50, %dma_wait3A_51] : memref<65536x512xf32, #tpu.memory_space<hbm>> -> memref<32x512xf32, #tpu.memory_space<hbm>>
      %dma_wait3A_53 = arith.constant 0 : i32
      %dma_wait3A_54 = tpu.memref_slice %arg2[%add3A_50, %dma_wait3A_53] : memref<65536x512xf32, #tpu.memory_space<hbm>> -> memref<32x512xf32, #tpu.memory_space<hbm>>
      tpu.wait_dma2 semaphore(%arg8 : memref<!tpu.dma_semaphore, #tpu.memory_space<semaphore_mem>>) src(%dma_wait3A_54 : memref<32x512xf32, #tpu.memory_space<hbm>>) dst(%arg4 : memref<32x512xf32, #tpu.memory_space<vmem>>)
      %scan3A_55 = arith.constant 0 : i32
      %scan3A_56 = arith.constant 32 : i32
      %scan3A_57 = arith.addi %scan3A_55, %scan3A_56 : i32
      %scan3A_58 = arith.constant 1 : i32
      scf.for %scan3A_155 = %scan3A_55 to %scan3A_57 step %scan3A_58  : i32 {
        %mul3A_156 = arith.constant 1 : i32
        %mul3A_157 = arith.muli %scan3A_155, %mul3A_156 : i32
        %add3A_158 = arith.constant 0 : i32
        %add3A_159 = arith.addi %add3A_158, %mul3A_157 : i32
        %get3A = arith.index_cast %add3A_159 : i32 to index
        %get3A_160 = arith.constant 16 : index
        %get3A_161 = tpu.vector_load %arg4[%get3A, %get3A_160] {strides = array<i32>} : memref<32x512xf32, #tpu.memory_space<vmem>>, vector<1x16xf32>,
        %get3A_162 = vector.shape_cast %get3A_161 : vector<1x16xf32> to vector<16xf32>
        %eq3A = arith.constant 11 : i32
        %eq3A_163 = vector.broadcast %eq3A : i32 to vector<16xi32>
        %eq3A_164 = arith.cmpi eq, %iota3A, %eq3A_163 : vector<16xi32>
        %jit3A = arith.constant 0.000000e+00 : f32
        %broadcast_in_dim3A = vector.broadcast %jit3A : f32 to vector<16xf32>
        %select_n3A = arith.select %eq3A_164, %broadcast_in_dim3A, %get3A_162 : vector<16xi1>, vector<16xf32>
        %swap3A = arith.index_cast %add3A_159 : i32 to index
        %swap3A_165 = arith.constant 16 : index
        %swap3A_166 = tpu.vector_load %arg4[%swap3A, %swap3A_165] {strides = array<i32>} : memref<32x512xf32, #tpu.memory_space<vmem>>, vector<1x16xf32>,
        %swap3A_167 = vector.shape_cast %swap3A_166 : vector<1x16xf32> to vector<16xf32>
        %swap3A_168 = vector.shape_cast %select_n3A : vector<16xf32> to vector<1x16xf32>
        tpu.vector_store %arg4[%swap3A, %swap3A_165], %swap3A_168 {strides = array<i32>} : memref<32x512xf32, #tpu.memory_space<vmem>>, vector<1x16xf32>,
        %get3A_169 = arith.index_cast %add3A_159 : i32 to index
        %get3A_170 = arith.constant 32 : index
        %get3A_171 = tpu.vector_load %arg4[%get3A_169, %get3A_170] {strides = array<i32>} : memref<32x512xf32, #tpu.memory_space<vmem>>, vector<1x16xf32>,
        %get3A_172 = vector.shape_cast %get3A_171 : vector<1x16xf32> to vector<16xf32>
        %eq3A_173 = arith.constant 5 : i32
        %eq3A_174 = vector.broadcast %eq3A_173 : i32 to vector<16xi32>
        %eq3A_175 = arith.cmpi eq, %iota3A, %eq3A_174 : vector<16xi32>
        %jit3A_176 = arith.constant 0.000000e+00 : f32
        %broadcast_in_dim3A_177 = vector.broadcast %jit3A_176 : f32 to vector<16xf32>
        %select_n3A_178 = arith.select %eq3A_175, %broadcast_in_dim3A_177, %get3A_172 : vector<16xi1>, vector<16xf32>
        %eq3A_179 = arith.constant 14 : i32
        %eq3A_180 = vector.broadcast %eq3A_179 : i32 to vector<16xi32>
        %eq3A_181 = arith.cmpi eq, %iota3A, %eq3A_180 : vector<16xi32>
        %jit3A_182 = arith.constant 0.000000e+00 : f32
        %broadcast_in_dim3A_183 = vector.broadcast %jit3A_182 : f32 to vector<16xf32>
        %select_n3A_184 = arith.select %eq3A_181, %broadcast_in_dim3A_183, %select_n3A_178 : vector<16xi1>, vector<16xf32>
        %eq3A_185 = arith.constant 15 : i32
        %eq3A_186 = vector.broadcast %eq3A_185 : i32 to vector<16xi32>
        %eq3A_187 = arith.cmpi eq, %iota3A, %eq3A_186 : vector<16xi32>
        %jit3A_188 = arith.constant 0.000000e+00 : f32
        %broadcast_in_dim3A_189 = vector.broadcast %jit3A_188 : f32 to vector<16xf32>
        %select_n3A_190 = arith.select %eq3A_187, %broadcast_in_dim3A_189, %select_n3A_184 : vector<16xi1>, vector<16xf32>
        %swap3A_191 = arith.index_cast %add3A_159 : i32 to index
        %swap3A_192 = arith.constant 32 : index
        %swap3A_193 = tpu.vector_load %arg4[%swap3A_191, %swap3A_192] {strides = array<i32>} : memref<32x512xf32, #tpu.memory_space<vmem>>, vector<1x16xf32>,
        %swap3A_194 = vector.shape_cast %swap3A_193 : vector<1x16xf32> to vector<16xf32>
        %swap3A_195 = vector.shape_cast %select_n3A_190 : vector<16xf32> to vector<1x16xf32>
        tpu.vector_store %arg4[%swap3A_191, %swap3A_192], %swap3A_195 {strides = array<i32>} : memref<32x512xf32, #tpu.memory_space<vmem>>, vector<1x16xf32>,
        %get3A_196 = arith.index_cast %add3A_159 : i32 to index
        %get3A_197 = arith.constant 80 : index
        %get3A_198 = tpu.vector_load %arg4[%get3A_196, %get3A_197] {strides = array<i32>} : memref<32x512xf32, #tpu.memory_space<vmem>>, vector<1x16xf32>,
        %get3A_199 = vector.shape_cast %get3A_198 : vector<1x16xf32> to vector<16xf32>
        %eq3A_200 = arith.constant 10 : i32
        %eq3A_201 = vector.broadcast %eq3A_200 : i32 to vector<16xi32>
        %eq3A_202 = arith.cmpi eq, %iota3A, %eq3A_201 : vector<16xi32>
        %jit3A_203 = arith.constant 0.000000e+00 : f32
        %broadcast_in_dim3A_204 = vector.broadcast %jit3A_203 : f32 to vector<16xf32>
        %select_n3A_205 = arith.select %eq3A_202, %broadcast_in_dim3A_204, %get3A_199 : vector<16xi1>, vector<16xf32>
        %swap3A_206 = arith.index_cast %add3A_159 : i32 to index
        %swap3A_207 = arith.constant 80 : index
        %swap3A_208 = tpu.vector_load %arg4[%swap3A_206, %swap3A_207] {strides = array<i32>} : memref<32x512xf32, #tpu.memory_space<vmem>>, vector<1x16xf32>,
        %swap3A_209 = vector.shape_cast %swap3A_208 : vector<1x16xf32> to vector<16xf32>
        %swap3A_210 = vector.shape_cast %select_n3A_205 : vector<16xf32> to vector<1x16xf32>
        tpu.vector_store %arg4[%swap3A_206, %swap3A_207], %swap3A_210 {strides = array<i32>} : memref<32x512xf32, #tpu.memory_space<vmem>>, vector<1x16xf32>,
        %get3A_211 = arith.index_cast %add3A_159 : i32 to index
        %get3A_212 = arith.constant 96 : index
        %get3A_213 = tpu.vector_load %arg4[%get3A_211, %get3A_212] {strides = array<i32>} : memref<32x512xf32, #tpu.memory_space<vmem>>, vector<1x16xf32>,
        %get3A_214 = vector.shape_cast %get3A_213 : vector<1x16xf32> to vector<16xf32>
        %eq3A_215 = arith.constant 4 : i32
        %eq3A_216 = vector.broadcast %eq3A_215 : i32 to vector<16xi32>
        %eq3A_217 = arith.cmpi eq, %iota3A, %eq3A_216 : vector<16xi32>
        %jit3A_218 = arith.constant 0.000000e+00 : f32
        %broadcast_in_dim3A_219 = vector.broadcast %jit3A_218 : f32 to vector<16xf32>
        %select_n3A_220 = arith.select %eq3A_217, %broadcast_in_dim3A_219, %get3A_214 : vector<16xi1>, vector<16xf32>
        %swap3A_221 = arith.index_cast %add3A_159 : i32 to index
        %swap3A_222 = arith.constant 96 : index
        %swap3A_223 = tpu.vector_load %arg4[%swap3A_221, %swap3A_222] {strides = array<i32>} : memref<32x512xf32, #tpu.memory_space<vmem>>, vector<1x16xf32>,
        %swap3A_224 = vector.shape_cast %swap3A_223 : vector<1x16xf32> to vector<16xf32>
        %swap3A_225 = vector.shape_cast %select_n3A_220 : vector<16xf32> to vector<1x16xf32>
        tpu.vector_store %arg4[%swap3A_221, %swap3A_222], %swap3A_225 {strides = array<i32>} : memref<32x512xf32, #tpu.memory_space<vmem>>, vector<1x16xf32>,
        %get3A_226 = arith.index_cast %add3A_159 : i32 to index
        %get3A_227 = arith.constant 112 : index
        %get3A_228 = tpu.vector_load %arg4[%get3A_226, %get3A_227] {strides = array<i32>} : memref<32x512xf32, #tpu.memory_space<vmem>>, vector<1x16xf32>,
        %get3A_229 = vector.shape_cast %get3A_228 : vector<1x16xf32> to vector<16xf32>
        %eq3A_230 = arith.constant 6 : i32
        %eq3A_231 = vector.broadcast %eq3A_230 : i32 to vector<16xi32>
        %eq3A_232 = arith.cmpi eq, %iota3A, %eq3A_231 : vector<16xi32>
        %jit3A_233 = arith.constant 0.000000e+00 : f32
        %broadcast_in_dim3A_234 = vector.broadcast %jit3A_233 : f32 to vector<16xf32>
        %select_n3A_235 = arith.select %eq3A_232, %broadcast_in_dim3A_234, %get3A_229 : vector<16xi1>, vector<16xf32>
        %swap3A_236 = arith.index_cast %add3A_159 : i32 to index
        %swap3A_237 = arith.constant 112 : index
        %swap3A_238 = tpu.vector_load %arg4[%swap3A_236, %swap3A_237] {strides = array<i32>} : memref<32x512xf32, #tpu.memory_space<vmem>>, vector<1x16xf32>,
        %swap3A_239 = vector.shape_cast %swap3A_238 : vector<1x16xf32> to vector<16xf32>
        %swap3A_240 = vector.shape_cast %select_n3A_235 : vector<16xf32> to vector<1x16xf32>
        tpu.vector_store %arg4[%swap3A_236, %swap3A_237], %swap3A_240 {strides = array<i32>} : memref<32x512xf32, #tpu.memory_space<vmem>>, vector<1x16xf32>,
        %get3A_241 = arith.index_cast %add3A_159 : i32 to index
        %get3A_242 = arith.constant 224 : index
        %get3A_243 = tpu.vector_load %arg4[%get3A_241, %get3A_242] {strides = array<i32>} : memref<32x512xf32, #tpu.memory_space<vmem>>, vector<1x16xf32>,
        %get3A_244 = vector.shape_cast %get3A_243 : vector<1x16xf32> to vector<16xf32>
        %eq3A_245 = arith.constant 14 : i32
        %eq3A_246 = vector.broadcast %eq3A_245 : i32 to vector<16xi32>
        %eq3A_247 = arith.cmpi eq, %iota3A, %eq3A_246 : vector<16xi32>
        %jit3A_248 = arith.constant 0.000000e+00 : f32
        %broadcast_in_dim3A_249 = vector.broadcast %jit3A_248 : f32 to vector<16xf32>
        %select_n3A_250 = arith.select %eq3A_247, %broadcast_in_dim3A_249, %get3A_244 : vector<16xi1>, vector<16xf32>
        %swap3A_251 = arith.index_cast %add3A_159 : i32 to index
        %swap3A_252 = arith.constant 224 : index
        %swap3A_253 = tpu.vector_load %arg4[%swap3A_251, %swap3A_252] {strides = array<i32>} : memref<32x512xf32, #tpu.memory_space<vmem>>, vector<1x16xf32>,
        %swap3A_254 = vector.shape_cast %swap3A_253 : vector<1x16xf32> to vector<16xf32>
        %swap3A_255 = vector.shape_cast %select_n3A_250 : vector<16xf32> to vector<1x16xf32>
        tpu.vector_store %arg4[%swap3A_251, %swap3A_252], %swap3A_255 {strides = array<i32>} : memref<32x512xf32, #tpu.memory_space<vmem>>, vector<1x16xf32>,
        %get3A_256 = arith.index_cast %add3A_159 : i32 to index
        %get3A_257 = arith.constant 272 : index
        %get3A_258 = tpu.vector_load %arg4[%get3A_256, %get3A_257] {strides = array<i32>} : memref<32x512xf32, #tpu.memory_space<vmem>>, vector<1x16xf32>,
        %get3A_259 = vector.shape_cast %get3A_258 : vector<1x16xf32> to vector<16xf32>
        %eq3A_260 = arith.constant 11 : i32
        %eq3A_261 = vector.broadcast %eq3A_260 : i32 to vector<16xi32>
        %eq3A_262 = arith.cmpi eq, %iota3A, %eq3A_261 : vector<16xi32>
        %jit3A_263 = arith.constant 0.000000e+00 : f32
        %broadcast_in_dim3A_264 = vector.broadcast %jit3A_263 : f32 to vector<16xf32>
        %select_n3A_265 = arith.select %eq3A_262, %broadcast_in_dim3A_264, %get3A_259 : vector<16xi1>, vector<16xf32>
        %swap3A_266 = arith.index_cast %add3A_159 : i32 to index
        %swap3A_267 = arith.constant 272 : index
        %swap3A_268 = tpu.vector_load %arg4[%swap3A_266, %swap3A_267] {strides = array<i32>} : memref<32x512xf32, #tpu.memory_space<vmem>>, vector<1x16xf32>,
        %swap3A_269 = vector.shape_cast %swap3A_268 : vector<1x16xf32> to vector<16xf32>
        %swap3A_270 = vector.shape_cast %select_n3A_265 : vector<16xf32> to vector<1x16xf32>
        tpu.vector_store %arg4[%swap3A_266, %swap3A_267], %swap3A_270 {strides = array<i32>} : memref<32x512xf32, #tpu.memory_space<vmem>>, vector<1x16xf32>,
        %get3A_271 = arith.index_cast %add3A_159 : i32 to index
        %get3A_272 = arith.constant 288 : index
        %get3A_273 = tpu.vector_load %arg4[%get3A_271, %get3A_272] {strides = array<i32>} : memref<32x512xf32, #tpu.memory_space<vmem>>, vector<1x16xf32>,
        %get3A_274 = vector.shape_cast %get3A_273 : vector<1x16xf32> to vector<16xf32>
        %eq3A_275 = arith.constant 5 : i32
        %eq3A_276 = vector.broadcast %eq3A_275 : i32 to vector<16xi32>
        %eq3A_277 = arith.cmpi eq, %iota3A, %eq3A_276 : vector<16xi32>
        %jit3A_278 = arith.constant 0.000000e+00 : f32
        %broadcast_in_dim3A_279 = vector.broadcast %jit3A_278 : f32 to vector<16xf32>
        %select_n3A_280 = arith.select %eq3A_277, %broadcast_in_dim3A_279, %get3A_274 : vector<16xi1>, vector<16xf32>
        %eq3A_281 = arith.constant 14 : i32
        %eq3A_282 = vector.broadcast %eq3A_281 : i32 to vector<16xi32>
        %eq3A_283 = arith.cmpi eq, %iota3A, %eq3A_282 : vector<16xi32>
        %jit3A_284 = arith.constant 0.000000e+00 : f32
        %broadcast_in_dim3A_285 = vector.broadcast %jit3A_284 : f32 to vector<16xf32>
        %select_n3A_286 = arith.select %eq3A_283, %broadcast_in_dim3A_285, %select_n3A_280 : vector<16xi1>, vector<16xf32>
        %eq3A_287 = arith.constant 15 : i32
        %eq3A_288 = vector.broadcast %eq3A_287 : i32 to vector<16xi32>
        %eq3A_289 = arith.cmpi eq, %iota3A, %eq3A_288 : vector<16xi32>
        %jit3A_290 = arith.constant 0.000000e+00 : f32
        %broadcast_in_dim3A_291 = vector.broadcast %jit3A_290 : f32 to vector<16xf32>
        %select_n3A_292 = arith.select %eq3A_289, %broadcast_in_dim3A_291, %select_n3A_286 : vector<16xi1>, vector<16xf32>
        %swap3A_293 = arith.index_cast %add3A_159 : i32 to index
        %swap3A_294 = arith.constant 288 : index
        %swap3A_295 = tpu.vector_load %arg4[%swap3A_293, %swap3A_294] {strides = array<i32>} : memref<32x512xf32, #tpu.memory_space<vmem>>, vector<1x16xf32>,
        %swap3A_296 = vector.shape_cast %swap3A_295 : vector<1x16xf32> to vector<16xf32>
        %swap3A_297 = vector.shape_cast %select_n3A_292 : vector<16xf32> to vector<1x16xf32>
        tpu.vector_store %arg4[%swap3A_293, %swap3A_294], %swap3A_297 {strides = array<i32>} : memref<32x512xf32, #tpu.memory_space<vmem>>, vector<1x16xf32>,
        %get3A_298 = arith.index_cast %add3A_159 : i32 to index
        %get3A_299 = arith.constant 336 : index
        %get3A_300 = tpu.vector_load %arg4[%get3A_298, %get3A_299] {strides = array<i32>} : memref<32x512xf32, #tpu.memory_space<vmem>>, vector<1x16xf32>,
        %get3A_301 = vector.shape_cast %get3A_300 : vector<1x16xf32> to vector<16xf32>
        %eq3A_302 = arith.constant 10 : i32
        %eq3A_303 = vector.broadcast %eq3A_302 : i32 to vector<16xi32>
        %eq3A_304 = arith.cmpi eq, %iota3A, %eq3A_303 : vector<16xi32>
        %jit3A_305 = arith.constant 0.000000e+00 : f32
        %broadcast_in_dim3A_306 = vector.broadcast %jit3A_305 : f32 to vector<16xf32>
        %select_n3A_307 = arith.select %eq3A_304, %broadcast_in_dim3A_306, %get3A_301 : vector<16xi1>, vector<16xf32>
        %swap3A_308 = arith.index_cast %add3A_159 : i32 to index
        %swap3A_309 = arith.constant 336 : index
        %swap3A_310 = tpu.vector_load %arg4[%swap3A_308, %swap3A_309] {strides = array<i32>} : memref<32x512xf32, #tpu.memory_space<vmem>>, vector<1x16xf32>,
        %swap3A_311 = vector.shape_cast %swap3A_310 : vector<1x16xf32> to vector<16xf32>
        %swap3A_312 = vector.shape_cast %select_n3A_307 : vector<16xf32> to vector<1x16xf32>
        tpu.vector_store %arg4[%swap3A_308, %swap3A_309], %swap3A_312 {strides = array<i32>} : memref<32x512xf32, #tpu.memory_space<vmem>>, vector<1x16xf32>,
        %get3A_313 = arith.index_cast %add3A_159 : i32 to index
        %get3A_314 = arith.constant 352 : index
        %get3A_315 = tpu.vector_load %arg4[%get3A_313, %get3A_314] {strides = array<i32>} : memref<32x512xf32, #tpu.memory_space<vmem>>, vector<1x16xf32>,
        %get3A_316 = vector.shape_cast %get3A_315 : vector<1x16xf32> to vector<16xf32>
        %eq3A_317 = arith.constant 4 : i32
        %eq3A_318 = vector.broadcast %eq3A_317 : i32 to vector<16xi32>
        %eq3A_319 = arith.cmpi eq, %iota3A, %eq3A_318 : vector<16xi32>
        %jit3A_320 = arith.constant 0.000000e+00 : f32
        %broadcast_in_dim3A_321 = vector.broadcast %jit3A_320 : f32 to vector<16xf32>
        %select_n3A_322 = arith.select %eq3A_319, %broadcast_in_dim3A_321, %get3A_316 : vector<16xi1>, vector<16xf32>
        %swap3A_323 = arith.index_cast %add3A_159 : i32 to index
        %swap3A_324 = arith.constant 352 : index
        %swap3A_325 = tpu.vector_load %arg4[%swap3A_323, %swap3A_324] {strides = array<i32>} : memref<32x512xf32, #tpu.memory_space<vmem>>, vector<1x16xf32>,
        %swap3A_326 = vector.shape_cast %swap3A_325 : vector<1x16xf32> to vector<16xf32>
        %swap3A_327 = vector.shape_cast %select_n3A_322 : vector<16xf32> to vector<1x16xf32>
        tpu.vector_store %arg4[%swap3A_323, %swap3A_324], %swap3A_327 {strides = array<i32>} : memref<32x512xf32, #tpu.memory_space<vmem>>, vector<1x16xf32>,
        %get3A_328 = arith.index_cast %add3A_159 : i32 to index
        %get3A_329 = arith.constant 368 : index
        %get3A_330 = tpu.vector_load %arg4[%get3A_328, %get3A_329] {strides = array<i32>} : memref<32x512xf32, #tpu.memory_space<vmem>>, vector<1x16xf32>,
        %get3A_331 = vector.shape_cast %get3A_330 : vector<1x16xf32> to vector<16xf32>
        %eq3A_332 = arith.constant 6 : i32
        %eq3A_333 = vector.broadcast %eq3A_332 : i32 to vector<16xi32>
        %eq3A_334 = arith.cmpi eq, %iota3A, %eq3A_333 : vector<16xi32>
        %jit3A_335 = arith.constant 0.000000e+00 : f32
        %broadcast_in_dim3A_336 = vector.broadcast %jit3A_335 : f32 to vector<16xf32>
        %select_n3A_337 = arith.select %eq3A_334, %broadcast_in_dim3A_336, %get3A_331 : vector<16xi1>, vector<16xf32>
        %swap3A_338 = arith.index_cast %add3A_159 : i32 to index
        %swap3A_339 = arith.constant 368 : index
        %swap3A_340 = tpu.vector_load %arg4[%swap3A_338, %swap3A_339] {strides = array<i32>} : memref<32x512xf32, #tpu.memory_space<vmem>>, vector<1x16xf32>,
        %swap3A_341 = vector.shape_cast %swap3A_340 : vector<1x16xf32> to vector<16xf32>
        %swap3A_342 = vector.shape_cast %select_n3A_337 : vector<16xf32> to vector<1x16xf32>
        tpu.vector_store %arg4[%swap3A_338, %swap3A_339], %swap3A_342 {strides = array<i32>} : memref<32x512xf32, #tpu.memory_space<vmem>>, vector<1x16xf32>,
        %get3A_343 = arith.index_cast %add3A_159 : i32 to index
        %get3A_344 = arith.constant 480 : index
        %get3A_345 = tpu.vector_load %arg4[%get3A_343, %get3A_344] {strides = array<i32>} : memref<32x512xf32, #tpu.memory_space<vmem>>, vector<1x16xf32>,
        %get3A_346 = vector.shape_cast %get3A_345 : vector<1x16xf32> to vector<16xf32>
        %eq3A_347 = arith.constant 14 : i32
        %eq3A_348 = vector.broadcast %eq3A_347 : i32 to vector<16xi32>
        %eq3A_349 = arith.cmpi eq, %iota3A, %eq3A_348 : vector<16xi32>
        %jit3A_350 = arith.constant 0.000000e+00 : f32
        %broadcast_in_dim3A_351 = vector.broadcast %jit3A_350 : f32 to vector<16xf32>
        %select_n3A_352 = arith.select %eq3A_349, %broadcast_in_dim3A_351, %get3A_346 : vector<16xi1>, vector<16xf32>
        %swap3A_353 = arith.index_cast %add3A_159 : i32 to index
        %swap3A_354 = arith.constant 480 : index
        %swap3A_355 = tpu.vector_load %arg4[%swap3A_353, %swap3A_354] {strides = array<i32>} : memref<32x512xf32, #tpu.memory_space<vmem>>, vector<1x16xf32>,
        %swap3A_356 = vector.shape_cast %swap3A_355 : vector<1x16xf32> to vector<16xf32>
        %swap3A_357 = vector.shape_cast %select_n3A_352 : vector<16xf32> to vector<1x16xf32>
        tpu.vector_store %arg4[%swap3A_353, %swap3A_354], %swap3A_357 {strides = array<i32>} : memref<32x512xf32, #tpu.memory_space<vmem>>, vector<1x16xf32>,
      }
      %scan3A_59 = arith.constant 32 : i32
      %mul3A_60 = arith.constant 32 : i32
      %mul3A_61 = arith.muli %add3A_47, %mul3A_60 : i32
      %add3A_62 = arith.addi %mul3A_2, %mul3A_61 : i32
      %dma_start3A_63 = arith.constant 0 : i32
      %dma_start3A_64 = tpu.memref_slice %arg3[%add3A_62, %dma_start3A_63] : memref<65536x512xf32, #tpu.memory_space<hbm>> -> memref<32x512xf32, #tpu.memory_space<hbm>>
      %dma_start3A_65 = arith.constant 0 : i32
      %dma_start3A_66 = tpu.memref_slice %arg3[%add3A_62, %dma_start3A_65] : memref<65536x512xf32, #tpu.memory_space<hbm>> -> memref<32x512xf32, #tpu.memory_space<hbm>>
      tpu.enqueue_dma source(%arg4 : memref<32x512xf32, #tpu.memory_space<vmem>>) target(%dma_start3A_66 : memref<32x512xf32, #tpu.memory_space<hbm>>) target_semaphore(%arg12 : memref<!tpu.dma_semaphore, #tpu.memory_space<semaphore_mem>>)
      %add3A_67 = arith.constant 2 : i32
      %add3A_68 = arith.addi %add3A_47, %add3A_67 : i32
      %lt3A = arith.constant 64 : i32
      %lt3A_69 = arith.cmpi slt, %add3A_68, %lt3A : i32
      %convert_element_type3A = arith.extui %lt3A_69 : i1 to i32
      %cond3A = arith.constant 0 : i32
      %cond3A_70 = arith.cmpi ne, %convert_element_type3A, %cond3A : i32
      scf.if %cond3A_70 {
        %ge3A = arith.constant 4 : i32
        %ge3A_155 = arith.cmpi sge, %add3A_68, %ge3A : i32
        %convert_element_type3A_156 = arith.extui %ge3A_155 : i1 to i32
        %cond3A_157 = arith.constant 0 : i32
        %cond3A_158 = arith.cmpi ne, %convert_element_type3A_156, %cond3A_157 : i32
        scf.if %cond3A_158 {
          %sub3A = arith.constant 4 : i32
          %sub3A_166 = arith.subi %add3A_68, %sub3A : i32
          %mul3A_167 = arith.constant 32 : i32
          %mul3A_168 = arith.muli %sub3A_166, %mul3A_167 : i32
          %add3A_169 = arith.addi %mul3A_2, %mul3A_168 : i32
          %dma_wait3A_170 = arith.constant 0 : i32
          %dma_wait3A_171 = tpu.memref_slice %arg3[%add3A_169, %dma_wait3A_170] : memref<65536x512xf32, #tpu.memory_space<hbm>> -> memref<32x512xf32, #tpu.memory_space<hbm>>
          %dma_wait3A_172 = arith.constant 0 : i32
          %dma_wait3A_173 = tpu.memref_slice %arg3[%add3A_169, %dma_wait3A_172] : memref<65536x512xf32, #tpu.memory_space<hbm>> -> memref<32x512xf32, #tpu.memory_space<hbm>>
          tpu.wait_dma2 semaphore(%arg14 : memref<!tpu.dma_semaphore, #tpu.memory_space<semaphore_mem>>) src(%arg6 : memref<32x512xf32, #tpu.memory_space<vmem>>) dst(%dma_wait3A_173 : memref<32x512xf32, #tpu.memory_space<hbm>>)
        } else {
        }
        %mul3A_159 = arith.constant 32 : i32
        %mul3A_160 = arith.muli %add3A_68, %mul3A_159 : i32
        %add3A_161 = arith.addi %mul3A_2, %mul3A_160 : i32
        %dma_start3A_162 = arith.constant 0 : i32
        %dma_start3A_163 = tpu.memref_slice %arg2[%add3A_161, %dma_start3A_162] : memref<65536x512xf32, #tpu.memory_space<hbm>> -> memref<32x512xf32, #tpu.memory_space<hbm>>
        %dma_start3A_164 = arith.constant 0 : i32
        %dma_start3A_165 = tpu.memref_slice %arg2[%add3A_161, %dma_start3A_164] : memref<65536x512xf32, #tpu.memory_space<hbm>> -> memref<32x512xf32, #tpu.memory_space<hbm>>
        tpu.enqueue_dma source(%dma_start3A_165 : memref<32x512xf32, #tpu.memory_space<hbm>>) target(%arg6 : memref<32x512xf32, #tpu.memory_space<vmem>>) target_semaphore(%arg10 : memref<!tpu.dma_semaphore, #tpu.memory_space<semaphore_mem>>)
      } else {
      }
      %add3A_71 = arith.constant 1 : i32
      %add3A_72 = arith.addi %add3A_45, %add3A_71 : i32
      %mul3A_73 = arith.constant 32 : i32
      %mul3A_74 = arith.muli %add3A_72, %mul3A_73 : i32
      %add3A_75 = arith.addi %mul3A_2, %mul3A_74 : i32
      %dma_wait3A_76 = arith.constant 0 : i32
      %dma_wait3A_77 = tpu.memref_slice %arg2[%add3A_75, %dma_wait3A_76] : memref<65536x512xf32, #tpu.memory_space<hbm>> -> memref<32x512xf32, #tpu.memory_space<hbm>>
      %dma_wait3A_78 = arith.constant 0 : i32
      %dma_wait3A_79 = tpu.memref_slice %arg2[%add3A_75, %dma_wait3A_78] : memref<65536x512xf32, #tpu.memory_space<hbm>> -> memref<32x512xf32, #tpu.memory_space<hbm>>
      tpu.wait_dma2 semaphore(%arg9 : memref<!tpu.dma_semaphore, #tpu.memory_space<semaphore_mem>>) src(%dma_wait3A_79 : memref<32x512xf32, #tpu.memory_space<hbm>>) dst(%arg5 : memref<32x512xf32, #tpu.memory_space<vmem>>)
      %scan3A_80 = arith.constant 0 : i32
      %scan3A_81 = arith.constant 32 : i32
      %scan3A_82 = arith.addi %scan3A_80, %scan3A_81 : i32
      %scan3A_83 = arith.constant 1 : i32
      scf.for %scan3A_155 = %scan3A_80 to %scan3A_82 step %scan3A_83  : i32 {
        %mul3A_156 = arith.constant 1 : i32
        %mul3A_157 = arith.muli %scan3A_155, %mul3A_156 : i32
        %add3A_158 = arith.constant 0 : i32
        %add3A_159 = arith.addi %add3A_158, %mul3A_157 : i32
        %get3A = arith.index_cast %add3A_159 : i32 to index
        %get3A_160 = arith.constant 16 : index
        %get3A_161 = tpu.vector_load %arg5[%get3A, %get3A_160] {strides = array<i32>} : memref<32x512xf32, #tpu.memory_space<vmem>>, vector<1x16xf32>,
        %get3A_162 = vector.shape_cast %get3A_161 : vector<1x16xf32> to vector<16xf32>
        %eq3A = arith.constant 11 : i32
        %eq3A_163 = vector.broadcast %eq3A : i32 to vector<16xi32>
        %eq3A_164 = arith.cmpi eq, %iota3A, %eq3A_163 : vector<16xi32>
        %jit3A = arith.constant 0.000000e+00 : f32
        %broadcast_in_dim3A = vector.broadcast %jit3A : f32 to vector<16xf32>
        %select_n3A = arith.select %eq3A_164, %broadcast_in_dim3A, %get3A_162 : vector<16xi1>, vector<16xf32>
        %swap3A = arith.index_cast %add3A_159 : i32 to index
        %swap3A_165 = arith.constant 16 : index
        %swap3A_166 = tpu.vector_load %arg5[%swap3A, %swap3A_165] {strides = array<i32>} : memref<32x512xf32, #tpu.memory_space<vmem>>, vector<1x16xf32>,
        %swap3A_167 = vector.shape_cast %swap3A_166 : vector<1x16xf32> to vector<16xf32>
        %swap3A_168 = vector.shape_cast %select_n3A : vector<16xf32> to vector<1x16xf32>
        tpu.vector_store %arg5[%swap3A, %swap3A_165], %swap3A_168 {strides = array<i32>} : memref<32x512xf32, #tpu.memory_space<vmem>>, vector<1x16xf32>,
        %get3A_169 = arith.index_cast %add3A_159 : i32 to index
        %get3A_170 = arith.constant 32 : index
        %get3A_171 = tpu.vector_load %arg5[%get3A_169, %get3A_170] {strides = array<i32>} : memref<32x512xf32, #tpu.memory_space<vmem>>, vector<1x16xf32>,
        %get3A_172 = vector.shape_cast %get3A_171 : vector<1x16xf32> to vector<16xf32>
        %eq3A_173 = arith.constant 5 : i32
        %eq3A_174 = vector.broadcast %eq3A_173 : i32 to vector<16xi32>
        %eq3A_175 = arith.cmpi eq, %iota3A, %eq3A_174 : vector<16xi32>
        %jit3A_176 = arith.constant 0.000000e+00 : f32
        %broadcast_in_dim3A_177 = vector.broadcast %jit3A_176 : f32 to vector<16xf32>
        %select_n3A_178 = arith.select %eq3A_175, %broadcast_in_dim3A_177, %get3A_172 : vector<16xi1>, vector<16xf32>
        %eq3A_179 = arith.constant 14 : i32
        %eq3A_180 = vector.broadcast %eq3A_179 : i32 to vector<16xi32>
        %eq3A_181 = arith.cmpi eq, %iota3A, %eq3A_180 : vector<16xi32>
        %jit3A_182 = arith.constant 0.000000e+00 : f32
        %broadcast_in_dim3A_183 = vector.broadcast %jit3A_182 : f32 to vector<16xf32>
        %select_n3A_184 = arith.select %eq3A_181, %broadcast_in_dim3A_183, %select_n3A_178 : vector<16xi1>, vector<16xf32>
        %eq3A_185 = arith.constant 15 : i32
        %eq3A_186 = vector.broadcast %eq3A_185 : i32 to vector<16xi32>
        %eq3A_187 = arith.cmpi eq, %iota3A, %eq3A_186 : vector<16xi32>
        %jit3A_188 = arith.constant 0.000000e+00 : f32
        %broadcast_in_dim3A_189 = vector.broadcast %jit3A_188 : f32 to vector<16xf32>
        %select_n3A_190 = arith.select %eq3A_187, %broadcast_in_dim3A_189, %select_n3A_184 : vector<16xi1>, vector<16xf32>
        %swap3A_191 = arith.index_cast %add3A_159 : i32 to index
        %swap3A_192 = arith.constant 32 : index
        %swap3A_193 = tpu.vector_load %arg5[%swap3A_191, %swap3A_192] {strides = array<i32>} : memref<32x512xf32, #tpu.memory_space<vmem>>, vector<1x16xf32>,
        %swap3A_194 = vector.shape_cast %swap3A_193 : vector<1x16xf32> to vector<16xf32>
        %swap3A_195 = vector.shape_cast %select_n3A_190 : vector<16xf32> to vector<1x16xf32>
        tpu.vector_store %arg5[%swap3A_191, %swap3A_192], %swap3A_195 {strides = array<i32>} : memref<32x512xf32, #tpu.memory_space<vmem>>, vector<1x16xf32>,
        %get3A_196 = arith.index_cast %add3A_159 : i32 to index
        %get3A_197 = arith.constant 80 : index
        %get3A_198 = tpu.vector_load %arg5[%get3A_196, %get3A_197] {strides = array<i32>} : memref<32x512xf32, #tpu.memory_space<vmem>>, vector<1x16xf32>,
        %get3A_199 = vector.shape_cast %get3A_198 : vector<1x16xf32> to vector<16xf32>
        %eq3A_200 = arith.constant 10 : i32
        %eq3A_201 = vector.broadcast %eq3A_200 : i32 to vector<16xi32>
        %eq3A_202 = arith.cmpi eq, %iota3A, %eq3A_201 : vector<16xi32>
        %jit3A_203 = arith.constant 0.000000e+00 : f32
        %broadcast_in_dim3A_204 = vector.broadcast %jit3A_203 : f32 to vector<16xf32>
        %select_n3A_205 = arith.select %eq3A_202, %broadcast_in_dim3A_204, %get3A_199 : vector<16xi1>, vector<16xf32>
        %swap3A_206 = arith.index_cast %add3A_159 : i32 to index
        %swap3A_207 = arith.constant 80 : index
        %swap3A_208 = tpu.vector_load %arg5[%swap3A_206, %swap3A_207] {strides = array<i32>} : memref<32x512xf32, #tpu.memory_space<vmem>>, vector<1x16xf32>,
        %swap3A_209 = vector.shape_cast %swap3A_208 : vector<1x16xf32> to vector<16xf32>
        %swap3A_210 = vector.shape_cast %select_n3A_205 : vector<16xf32> to vector<1x16xf32>
        tpu.vector_store %arg5[%swap3A_206, %swap3A_207], %swap3A_210 {strides = array<i32>} : memref<32x512xf32, #tpu.memory_space<vmem>>, vector<1x16xf32>,
        %get3A_211 = arith.index_cast %add3A_159 : i32 to index
        %get3A_212 = arith.constant 96 : index
        %get3A_213 = tpu.vector_load %arg5[%get3A_211, %get3A_212] {strides = array<i32>} : memref<32x512xf32, #tpu.memory_space<vmem>>, vector<1x16xf32>,
        %get3A_214 = vector.shape_cast %get3A_213 : vector<1x16xf32> to vector<16xf32>
        %eq3A_215 = arith.constant 4 : i32
        %eq3A_216 = vector.broadcast %eq3A_215 : i32 to vector<16xi32>
        %eq3A_217 = arith.cmpi eq, %iota3A, %eq3A_216 : vector<16xi32>
        %jit3A_218 = arith.constant 0.000000e+00 : f32
        %broadcast_in_dim3A_219 = vector.broadcast %jit3A_218 : f32 to vector<16xf32>
        %select_n3A_220 = arith.select %eq3A_217, %broadcast_in_dim3A_219, %get3A_214 : vector<16xi1>, vector<16xf32>
        %swap3A_221 = arith.index_cast %add3A_159 : i32 to index
        %swap3A_222 = arith.constant 96 : index
        %swap3A_223 = tpu.vector_load %arg5[%swap3A_221, %swap3A_222] {strides = array<i32>} : memref<32x512xf32, #tpu.memory_space<vmem>>, vector<1x16xf32>,
        %swap3A_224 = vector.shape_cast %swap3A_223 : vector<1x16xf32> to vector<16xf32>
        %swap3A_225 = vector.shape_cast %select_n3A_220 : vector<16xf32> to vector<1x16xf32>
        tpu.vector_store %arg5[%swap3A_221, %swap3A_222], %swap3A_225 {strides = array<i32>} : memref<32x512xf32, #tpu.memory_space<vmem>>, vector<1x16xf32>,
        %get3A_226 = arith.index_cast %add3A_159 : i32 to index
        %get3A_227 = arith.constant 112 : index
        %get3A_228 = tpu.vector_load %arg5[%get3A_226, %get3A_227] {strides = array<i32>} : memref<32x512xf32, #tpu.memory_space<vmem>>, vector<1x16xf32>,
        %get3A_229 = vector.shape_cast %get3A_228 : vector<1x16xf32> to vector<16xf32>
        %eq3A_230 = arith.constant 6 : i32
        %eq3A_231 = vector.broadcast %eq3A_230 : i32 to vector<16xi32>
        %eq3A_232 = arith.cmpi eq, %iota3A, %eq3A_231 : vector<16xi32>
        %jit3A_233 = arith.constant 0.000000e+00 : f32
        %broadcast_in_dim3A_234 = vector.broadcast %jit3A_233 : f32 to vector<16xf32>
        %select_n3A_235 = arith.select %eq3A_232, %broadcast_in_dim3A_234, %get3A_229 : vector<16xi1>, vector<16xf32>
        %swap3A_236 = arith.index_cast %add3A_159 : i32 to index
        %swap3A_237 = arith.constant 112 : index
        %swap3A_238 = tpu.vector_load %arg5[%swap3A_236, %swap3A_237] {strides = array<i32>} : memref<32x512xf32, #tpu.memory_space<vmem>>, vector<1x16xf32>,
        %swap3A_239 = vector.shape_cast %swap3A_238 : vector<1x16xf32> to vector<16xf32>
        %swap3A_240 = vector.shape_cast %select_n3A_235 : vector<16xf32> to vector<1x16xf32>
        tpu.vector_store %arg5[%swap3A_236, %swap3A_237], %swap3A_240 {strides = array<i32>} : memref<32x512xf32, #tpu.memory_space<vmem>>, vector<1x16xf32>,
        %get3A_241 = arith.index_cast %add3A_159 : i32 to index
        %get3A_242 = arith.constant 224 : index
        %get3A_243 = tpu.vector_load %arg5[%get3A_241, %get3A_242] {strides = array<i32>} : memref<32x512xf32, #tpu.memory_space<vmem>>, vector<1x16xf32>,
        %get3A_244 = vector.shape_cast %get3A_243 : vector<1x16xf32> to vector<16xf32>
        %eq3A_245 = arith.constant 14 : i32
        %eq3A_246 = vector.broadcast %eq3A_245 : i32 to vector<16xi32>
        %eq3A_247 = arith.cmpi eq, %iota3A, %eq3A_246 : vector<16xi32>
        %jit3A_248 = arith.constant 0.000000e+00 : f32
        %broadcast_in_dim3A_249 = vector.broadcast %jit3A_248 : f32 to vector<16xf32>
        %select_n3A_250 = arith.select %eq3A_247, %broadcast_in_dim3A_249, %get3A_244 : vector<16xi1>, vector<16xf32>
        %swap3A_251 = arith.index_cast %add3A_159 : i32 to index
        %swap3A_252 = arith.constant 224 : index
        %swap3A_253 = tpu.vector_load %arg5[%swap3A_251, %swap3A_252] {strides = array<i32>} : memref<32x512xf32, #tpu.memory_space<vmem>>, vector<1x16xf32>,
        %swap3A_254 = vector.shape_cast %swap3A_253 : vector<1x16xf32> to vector<16xf32>
        %swap3A_255 = vector.shape_cast %select_n3A_250 : vector<16xf32> to vector<1x16xf32>
        tpu.vector_store %arg5[%swap3A_251, %swap3A_252], %swap3A_255 {strides = array<i32>} : memref<32x512xf32, #tpu.memory_space<vmem>>, vector<1x16xf32>,
        %get3A_256 = arith.index_cast %add3A_159 : i32 to index
        %get3A_257 = arith.constant 272 : index
        %get3A_258 = tpu.vector_load %arg5[%get3A_256, %get3A_257] {strides = array<i32>} : memref<32x512xf32, #tpu.memory_space<vmem>>, vector<1x16xf32>,
        %get3A_259 = vector.shape_cast %get3A_258 : vector<1x16xf32> to vector<16xf32>
        %eq3A_260 = arith.constant 11 : i32
        %eq3A_261 = vector.broadcast %eq3A_260 : i32 to vector<16xi32>
        %eq3A_262 = arith.cmpi eq, %iota3A, %eq3A_261 : vector<16xi32>
        %jit3A_263 = arith.constant 0.000000e+00 : f32
        %broadcast_in_dim3A_264 = vector.broadcast %jit3A_263 : f32 to vector<16xf32>
        %select_n3A_265 = arith.select %eq3A_262, %broadcast_in_dim3A_264, %get3A_259 : vector<16xi1>, vector<16xf32>
        %swap3A_266 = arith.index_cast %add3A_159 : i32 to index
        %swap3A_267 = arith.constant 272 : index
        %swap3A_268 = tpu.vector_load %arg5[%swap3A_266, %swap3A_267] {strides = array<i32>} : memref<32x512xf32, #tpu.memory_space<vmem>>, vector<1x16xf32>,
        %swap3A_269 = vector.shape_cast %swap3A_268 : vector<1x16xf32> to vector<16xf32>
        %swap3A_270 = vector.shape_cast %select_n3A_265 : vector<16xf32> to vector<1x16xf32>
        tpu.vector_store %arg5[%swap3A_266, %swap3A_267], %swap3A_270 {strides = array<i32>} : memref<32x512xf32, #tpu.memory_space<vmem>>, vector<1x16xf32>,
        %get3A_271 = arith.index_cast %add3A_159 : i32 to index
        %get3A_272 = arith.constant 288 : index
        %get3A_273 = tpu.vector_load %arg5[%get3A_271, %get3A_272] {strides = array<i32>} : memref<32x512xf32, #tpu.memory_space<vmem>>, vector<1x16xf32>,
        %get3A_274 = vector.shape_cast %get3A_273 : vector<1x16xf32> to vector<16xf32>
        %eq3A_275 = arith.constant 5 : i32
        %eq3A_276 = vector.broadcast %eq3A_275 : i32 to vector<16xi32>
        %eq3A_277 = arith.cmpi eq, %iota3A, %eq3A_276 : vector<16xi32>
        %jit3A_278 = arith.constant 0.000000e+00 : f32
        %broadcast_in_dim3A_279 = vector.broadcast %jit3A_278 : f32 to vector<16xf32>
        %select_n3A_280 = arith.select %eq3A_277, %broadcast_in_dim3A_279, %get3A_274 : vector<16xi1>, vector<16xf32>
        %eq3A_281 = arith.constant 14 : i32
        %eq3A_282 = vector.broadcast %eq3A_281 : i32 to vector<16xi32>
        %eq3A_283 = arith.cmpi eq, %iota3A, %eq3A_282 : vector<16xi32>
        %jit3A_284 = arith.constant 0.000000e+00 : f32
        %broadcast_in_dim3A_285 = vector.broadcast %jit3A_284 : f32 to vector<16xf32>
        %select_n3A_286 = arith.select %eq3A_283, %broadcast_in_dim3A_285, %select_n3A_280 : vector<16xi1>, vector<16xf32>
        %eq3A_287 = arith.constant 15 : i32
        %eq3A_288 = vector.broadcast %eq3A_287 : i32 to vector<16xi32>
        %eq3A_289 = arith.cmpi eq, %iota3A, %eq3A_288 : vector<16xi32>
        %jit3A_290 = arith.constant 0.000000e+00 : f32
        %broadcast_in_dim3A_291 = vector.broadcast %jit3A_290 : f32 to vector<16xf32>
        %select_n3A_292 = arith.select %eq3A_289, %broadcast_in_dim3A_291, %select_n3A_286 : vector<16xi1>, vector<16xf32>
        %swap3A_293 = arith.index_cast %add3A_159 : i32 to index
        %swap3A_294 = arith.constant 288 : index
        %swap3A_295 = tpu.vector_load %arg5[%swap3A_293, %swap3A_294] {strides = array<i32>} : memref<32x512xf32, #tpu.memory_space<vmem>>, vector<1x16xf32>,
        %swap3A_296 = vector.shape_cast %swap3A_295 : vector<1x16xf32> to vector<16xf32>
        %swap3A_297 = vector.shape_cast %select_n3A_292 : vector<16xf32> to vector<1x16xf32>
        tpu.vector_store %arg5[%swap3A_293, %swap3A_294], %swap3A_297 {strides = array<i32>} : memref<32x512xf32, #tpu.memory_space<vmem>>, vector<1x16xf32>,
        %get3A_298 = arith.index_cast %add3A_159 : i32 to index
        %get3A_299 = arith.constant 336 : index
        %get3A_300 = tpu.vector_load %arg5[%get3A_298, %get3A_299] {strides = array<i32>} : memref<32x512xf32, #tpu.memory_space<vmem>>, vector<1x16xf32>,
        %get3A_301 = vector.shape_cast %get3A_300 : vector<1x16xf32> to vector<16xf32>
        %eq3A_302 = arith.constant 10 : i32
        %eq3A_303 = vector.broadcast %eq3A_302 : i32 to vector<16xi32>
        %eq3A_304 = arith.cmpi eq, %iota3A, %eq3A_303 : vector<16xi32>
        %jit3A_305 = arith.constant 0.000000e+00 : f32
        %broadcast_in_dim3A_306 = vector.broadcast %jit3A_305 : f32 to vector<16xf32>
        %select_n3A_307 = arith.select %eq3A_304, %broadcast_in_dim3A_306, %get3A_301 : vector<16xi1>, vector<16xf32>
        %swap3A_308 = arith.index_cast %add3A_159 : i32 to index
        %swap3A_309 = arith.constant 336 : index
        %swap3A_310 = tpu.vector_load %arg5[%swap3A_308, %swap3A_309] {strides = array<i32>} : memref<32x512xf32, #tpu.memory_space<vmem>>, vector<1x16xf32>,
        %swap3A_311 = vector.shape_cast %swap3A_310 : vector<1x16xf32> to vector<16xf32>
        %swap3A_312 = vector.shape_cast %select_n3A_307 : vector<16xf32> to vector<1x16xf32>
        tpu.vector_store %arg5[%swap3A_308, %swap3A_309], %swap3A_312 {strides = array<i32>} : memref<32x512xf32, #tpu.memory_space<vmem>>, vector<1x16xf32>,
        %get3A_313 = arith.index_cast %add3A_159 : i32 to index
        %get3A_314 = arith.constant 352 : index
        %get3A_315 = tpu.vector_load %arg5[%get3A_313, %get3A_314] {strides = array<i32>} : memref<32x512xf32, #tpu.memory_space<vmem>>, vector<1x16xf32>,
        %get3A_316 = vector.shape_cast %get3A_315 : vector<1x16xf32> to vector<16xf32>
        %eq3A_317 = arith.constant 4 : i32
        %eq3A_318 = vector.broadcast %eq3A_317 : i32 to vector<16xi32>
        %eq3A_319 = arith.cmpi eq, %iota3A, %eq3A_318 : vector<16xi32>
        %jit3A_320 = arith.constant 0.000000e+00 : f32
        %broadcast_in_dim3A_321 = vector.broadcast %jit3A_320 : f32 to vector<16xf32>
        %select_n3A_322 = arith.select %eq3A_319, %broadcast_in_dim3A_321, %get3A_316 : vector<16xi1>, vector<16xf32>
        %swap3A_323 = arith.index_cast %add3A_159 : i32 to index
        %swap3A_324 = arith.constant 352 : index
        %swap3A_325 = tpu.vector_load %arg5[%swap3A_323, %swap3A_324] {strides = array<i32>} : memref<32x512xf32, #tpu.memory_space<vmem>>, vector<1x16xf32>,
        %swap3A_326 = vector.shape_cast %swap3A_325 : vector<1x16xf32> to vector<16xf32>
        %swap3A_327 = vector.shape_cast %select_n3A_322 : vector<16xf32> to vector<1x16xf32>
        tpu.vector_store %arg5[%swap3A_323, %swap3A_324], %swap3A_327 {strides = array<i32>} : memref<32x512xf32, #tpu.memory_space<vmem>>, vector<1x16xf32>,
        %get3A_328 = arith.index_cast %add3A_159 : i32 to index
        %get3A_329 = arith.constant 368 : index
        %get3A_330 = tpu.vector_load %arg5[%get3A_328, %get3A_329] {strides = array<i32>} : memref<32x512xf32, #tpu.memory_space<vmem>>, vector<1x16xf32>,
        %get3A_331 = vector.shape_cast %get3A_330 : vector<1x16xf32> to vector<16xf32>
        %eq3A_332 = arith.constant 6 : i32
        %eq3A_333 = vector.broadcast %eq3A_332 : i32 to vector<16xi32>
        %eq3A_334 = arith.cmpi eq, %iota3A, %eq3A_333 : vector<16xi32>
        %jit3A_335 = arith.constant 0.000000e+00 : f32
        %broadcast_in_dim3A_336 = vector.broadcast %jit3A_335 : f32 to vector<16xf32>
        %select_n3A_337 = arith.select %eq3A_334, %broadcast_in_dim3A_336, %get3A_331 : vector<16xi1>, vector<16xf32>
        %swap3A_338 = arith.index_cast %add3A_159 : i32 to index
        %swap3A_339 = arith.constant 368 : index
        %swap3A_340 = tpu.vector_load %arg5[%swap3A_338, %swap3A_339] {strides = array<i32>} : memref<32x512xf32, #tpu.memory_space<vmem>>, vector<1x16xf32>,
        %swap3A_341 = vector.shape_cast %swap3A_340 : vector<1x16xf32> to vector<16xf32>
        %swap3A_342 = vector.shape_cast %select_n3A_337 : vector<16xf32> to vector<1x16xf32>
        tpu.vector_store %arg5[%swap3A_338, %swap3A_339], %swap3A_342 {strides = array<i32>} : memref<32x512xf32, #tpu.memory_space<vmem>>, vector<1x16xf32>,
        %get3A_343 = arith.index_cast %add3A_159 : i32 to index
        %get3A_344 = arith.constant 480 : index
        %get3A_345 = tpu.vector_load %arg5[%get3A_343, %get3A_344] {strides = array<i32>} : memref<32x512xf32, #tpu.memory_space<vmem>>, vector<1x16xf32>,
        %get3A_346 = vector.shape_cast %get3A_345 : vector<1x16xf32> to vector<16xf32>
        %eq3A_347 = arith.constant 14 : i32
        %eq3A_348 = vector.broadcast %eq3A_347 : i32 to vector<16xi32>
        %eq3A_349 = arith.cmpi eq, %iota3A, %eq3A_348 : vector<16xi32>
        %jit3A_350 = arith.constant 0.000000e+00 : f32
        %broadcast_in_dim3A_351 = vector.broadcast %jit3A_350 : f32 to vector<16xf32>
        %select_n3A_352 = arith.select %eq3A_349, %broadcast_in_dim3A_351, %get3A_346 : vector<16xi1>, vector<16xf32>
        %swap3A_353 = arith.index_cast %add3A_159 : i32 to index
        %swap3A_354 = arith.constant 480 : index
        %swap3A_355 = tpu.vector_load %arg5[%swap3A_353, %swap3A_354] {strides = array<i32>} : memref<32x512xf32, #tpu.memory_space<vmem>>, vector<1x16xf32>,
        %swap3A_356 = vector.shape_cast %swap3A_355 : vector<1x16xf32> to vector<16xf32>
        %swap3A_357 = vector.shape_cast %select_n3A_352 : vector<16xf32> to vector<1x16xf32>
        tpu.vector_store %arg5[%swap3A_353, %swap3A_354], %swap3A_357 {strides = array<i32>} : memref<32x512xf32, #tpu.memory_space<vmem>>, vector<1x16xf32>,
      }
      %scan3A_84 = arith.constant 32 : i32
      %mul3A_85 = arith.constant 32 : i32
      %mul3A_86 = arith.muli %add3A_72, %mul3A_85 : i32
      %add3A_87 = arith.addi %mul3A_2, %mul3A_86 : i32
      %dma_start3A_88 = arith.constant 0 : i32
      %dma_start3A_89 = tpu.memref_slice %arg3[%add3A_87, %dma_start3A_88] : memref<65536x512xf32, #tpu.memory_space<hbm>> -> memref<32x512xf32, #tpu.memory_space<hbm>>
      %dma_start3A_90 = arith.constant 0 : i32
      %dma_start3A_91 = tpu.memref_slice %arg3[%add3A_87, %dma_start3A_90] : memref<65536x512xf32, #tpu.memory_space<hbm>> -> memref<32x512xf32, #tpu.memory_space<hbm>>
      tpu.enqueue_dma source(%arg5 : memref<32x512xf32, #tpu.memory_space<vmem>>) target(%dma_start3A_91 : memref<32x512xf32, #tpu.memory_space<hbm>>) target_semaphore(%arg13 : memref<!tpu.dma_semaphore, #tpu.memory_space<semaphore_mem>>)
      %add3A_92 = arith.constant 2 : i32
      %add3A_93 = arith.addi %add3A_72, %add3A_92 : i32
      %lt3A_94 = arith.constant 64 : i32
      %lt3A_95 = arith.cmpi slt, %add3A_93, %lt3A_94 : i32
      %convert_element_type3A_96 = arith.extui %lt3A_95 : i1 to i32
      %cond3A_97 = arith.constant 0 : i32
      %cond3A_98 = arith.cmpi ne, %convert_element_type3A_96, %cond3A_97 : i32
      scf.if %cond3A_98 {
        %ge3A = arith.constant 4 : i32
        %ge3A_155 = arith.cmpi sge, %add3A_93, %ge3A : i32
        %convert_element_type3A_156 = arith.extui %ge3A_155 : i1 to i32
        %cond3A_157 = arith.constant 0 : i32
        %cond3A_158 = arith.cmpi ne, %convert_element_type3A_156, %cond3A_157 : i32
        scf.if %cond3A_158 {
          %sub3A = arith.constant 4 : i32
          %sub3A_166 = arith.subi %add3A_93, %sub3A : i32
          %mul3A_167 = arith.constant 32 : i32
          %mul3A_168 = arith.muli %sub3A_166, %mul3A_167 : i32
          %add3A_169 = arith.addi %mul3A_2, %mul3A_168 : i32
          %dma_wait3A_170 = arith.constant 0 : i32
          %dma_wait3A_171 = tpu.memref_slice %arg3[%add3A_169, %dma_wait3A_170] : memref<65536x512xf32, #tpu.memory_space<hbm>> -> memref<32x512xf32, #tpu.memory_space<hbm>>
          %dma_wait3A_172 = arith.constant 0 : i32
          %dma_wait3A_173 = tpu.memref_slice %arg3[%add3A_169, %dma_wait3A_172] : memref<65536x512xf32, #tpu.memory_space<hbm>> -> memref<32x512xf32, #tpu.memory_space<hbm>>
          tpu.wait_dma2 semaphore(%arg15 : memref<!tpu.dma_semaphore, #tpu.memory_space<semaphore_mem>>) src(%arg7 : memref<32x512xf32, #tpu.memory_space<vmem>>) dst(%dma_wait3A_173 : memref<32x512xf32, #tpu.memory_space<hbm>>)
        } else {
        }
        %mul3A_159 = arith.constant 32 : i32
        %mul3A_160 = arith.muli %add3A_93, %mul3A_159 : i32
        %add3A_161 = arith.addi %mul3A_2, %mul3A_160 : i32
        %dma_start3A_162 = arith.constant 0 : i32
        %dma_start3A_163 = tpu.memref_slice %arg2[%add3A_161, %dma_start3A_162] : memref<65536x512xf32, #tpu.memory_space<hbm>> -> memref<32x512xf32, #tpu.memory_space<hbm>>
        %dma_start3A_164 = arith.constant 0 : i32
        %dma_start3A_165 = tpu.memref_slice %arg2[%add3A_161, %dma_start3A_164] : memref<65536x512xf32, #tpu.memory_space<hbm>> -> memref<32x512xf32, #tpu.memory_space<hbm>>
        tpu.enqueue_dma source(%dma_start3A_165 : memref<32x512xf32, #tpu.memory_space<hbm>>) target(%arg7 : memref<32x512xf32, #tpu.memory_space<vmem>>) target_semaphore(%arg11 : memref<!tpu.dma_semaphore, #tpu.memory_space<semaphore_mem>>)
      } else {
      }
      %add3A_99 = arith.constant 2 : i32
      %add3A_100 = arith.addi %add3A_45, %add3A_99 : i32
      %mul3A_101 = arith.constant 32 : i32
      %mul3A_102 = arith.muli %add3A_100, %mul3A_101 : i32
      %add3A_103 = arith.addi %mul3A_2, %mul3A_102 : i32
      %dma_wait3A_104 = arith.constant 0 : i32
      %dma_wait3A_105 = tpu.memref_slice %arg2[%add3A_103, %dma_wait3A_104] : memref<65536x512xf32, #tpu.memory_space<hbm>> -> memref<32x512xf32, #tpu.memory_space<hbm>>
      %dma_wait3A_106 = arith.constant 0 : i32
      %dma_wait3A_107 = tpu.memref_slice %arg2[%add3A_103, %dma_wait3A_106] : memref<65536x512xf32, #tpu.memory_space<hbm>> -> memref<32x512xf32, #tpu.memory_space<hbm>>
      tpu.wait_dma2 semaphore(%arg10 : memref<!tpu.dma_semaphore, #tpu.memory_space<semaphore_mem>>) src(%dma_wait3A_107 : memref<32x512xf32, #tpu.memory_space<hbm>>) dst(%arg6 : memref<32x512xf32, #tpu.memory_space<vmem>>)
      %scan3A_108 = arith.constant 0 : i32
      %scan3A_109 = arith.constant 32 : i32
      %scan3A_110 = arith.addi %scan3A_108, %scan3A_109 : i32
      %scan3A_111 = arith.constant 1 : i32
      scf.for %scan3A_155 = %scan3A_108 to %scan3A_110 step %scan3A_111  : i32 {
        %mul3A_156 = arith.constant 1 : i32
        %mul3A_157 = arith.muli %scan3A_155, %mul3A_156 : i32
        %add3A_158 = arith.constant 0 : i32
        %add3A_159 = arith.addi %add3A_158, %mul3A_157 : i32
        %get3A = arith.index_cast %add3A_159 : i32 to index
        %get3A_160 = arith.constant 16 : index
        %get3A_161 = tpu.vector_load %arg6[%get3A, %get3A_160] {strides = array<i32>} : memref<32x512xf32, #tpu.memory_space<vmem>>, vector<1x16xf32>,
        %get3A_162 = vector.shape_cast %get3A_161 : vector<1x16xf32> to vector<16xf32>
        %eq3A = arith.constant 11 : i32
        %eq3A_163 = vector.broadcast %eq3A : i32 to vector<16xi32>
        %eq3A_164 = arith.cmpi eq, %iota3A, %eq3A_163 : vector<16xi32>
        %jit3A = arith.constant 0.000000e+00 : f32
        %broadcast_in_dim3A = vector.broadcast %jit3A : f32 to vector<16xf32>
        %select_n3A = arith.select %eq3A_164, %broadcast_in_dim3A, %get3A_162 : vector<16xi1>, vector<16xf32>
        %swap3A = arith.index_cast %add3A_159 : i32 to index
        %swap3A_165 = arith.constant 16 : index
        %swap3A_166 = tpu.vector_load %arg6[%swap3A, %swap3A_165] {strides = array<i32>} : memref<32x512xf32, #tpu.memory_space<vmem>>, vector<1x16xf32>,
        %swap3A_167 = vector.shape_cast %swap3A_166 : vector<1x16xf32> to vector<16xf32>
        %swap3A_168 = vector.shape_cast %select_n3A : vector<16xf32> to vector<1x16xf32>
        tpu.vector_store %arg6[%swap3A, %swap3A_165], %swap3A_168 {strides = array<i32>} : memref<32x512xf32, #tpu.memory_space<vmem>>, vector<1x16xf32>,
        %get3A_169 = arith.index_cast %add3A_159 : i32 to index
        %get3A_170 = arith.constant 32 : index
        %get3A_171 = tpu.vector_load %arg6[%get3A_169, %get3A_170] {strides = array<i32>} : memref<32x512xf32, #tpu.memory_space<vmem>>, vector<1x16xf32>,
        %get3A_172 = vector.shape_cast %get3A_171 : vector<1x16xf32> to vector<16xf32>
        %eq3A_173 = arith.constant 5 : i32
        %eq3A_174 = vector.broadcast %eq3A_173 : i32 to vector<16xi32>
        %eq3A_175 = arith.cmpi eq, %iota3A, %eq3A_174 : vector<16xi32>
        %jit3A_176 = arith.constant 0.000000e+00 : f32
        %broadcast_in_dim3A_177 = vector.broadcast %jit3A_176 : f32 to vector<16xf32>
        %select_n3A_178 = arith.select %eq3A_175, %broadcast_in_dim3A_177, %get3A_172 : vector<16xi1>, vector<16xf32>
        %eq3A_179 = arith.constant 14 : i32
        %eq3A_180 = vector.broadcast %eq3A_179 : i32 to vector<16xi32>
        %eq3A_181 = arith.cmpi eq, %iota3A, %eq3A_180 : vector<16xi32>
        %jit3A_182 = arith.constant 0.000000e+00 : f32
        %broadcast_in_dim3A_183 = vector.broadcast %jit3A_182 : f32 to vector<16xf32>
        %select_n3A_184 = arith.select %eq3A_181, %broadcast_in_dim3A_183, %select_n3A_178 : vector<16xi1>, vector<16xf32>
        %eq3A_185 = arith.constant 15 : i32
        %eq3A_186 = vector.broadcast %eq3A_185 : i32 to vector<16xi32>
        %eq3A_187 = arith.cmpi eq, %iota3A, %eq3A_186 : vector<16xi32>
        %jit3A_188 = arith.constant 0.000000e+00 : f32
        %broadcast_in_dim3A_189 = vector.broadcast %jit3A_188 : f32 to vector<16xf32>
        %select_n3A_190 = arith.select %eq3A_187, %broadcast_in_dim3A_189, %select_n3A_184 : vector<16xi1>, vector<16xf32>
        %swap3A_191 = arith.index_cast %add3A_159 : i32 to index
        %swap3A_192 = arith.constant 32 : index
        %swap3A_193 = tpu.vector_load %arg6[%swap3A_191, %swap3A_192] {strides = array<i32>} : memref<32x512xf32, #tpu.memory_space<vmem>>, vector<1x16xf32>,
        %swap3A_194 = vector.shape_cast %swap3A_193 : vector<1x16xf32> to vector<16xf32>
        %swap3A_195 = vector.shape_cast %select_n3A_190 : vector<16xf32> to vector<1x16xf32>
        tpu.vector_store %arg6[%swap3A_191, %swap3A_192], %swap3A_195 {strides = array<i32>} : memref<32x512xf32, #tpu.memory_space<vmem>>, vector<1x16xf32>,
        %get3A_196 = arith.index_cast %add3A_159 : i32 to index
        %get3A_197 = arith.constant 80 : index
        %get3A_198 = tpu.vector_load %arg6[%get3A_196, %get3A_197] {strides = array<i32>} : memref<32x512xf32, #tpu.memory_space<vmem>>, vector<1x16xf32>,
        %get3A_199 = vector.shape_cast %get3A_198 : vector<1x16xf32> to vector<16xf32>
        %eq3A_200 = arith.constant 10 : i32
        %eq3A_201 = vector.broadcast %eq3A_200 : i32 to vector<16xi32>
        %eq3A_202 = arith.cmpi eq, %iota3A, %eq3A_201 : vector<16xi32>
        %jit3A_203 = arith.constant 0.000000e+00 : f32
        %broadcast_in_dim3A_204 = vector.broadcast %jit3A_203 : f32 to vector<16xf32>
        %select_n3A_205 = arith.select %eq3A_202, %broadcast_in_dim3A_204, %get3A_199 : vector<16xi1>, vector<16xf32>
        %swap3A_206 = arith.index_cast %add3A_159 : i32 to index
        %swap3A_207 = arith.constant 80 : index
        %swap3A_208 = tpu.vector_load %arg6[%swap3A_206, %swap3A_207] {strides = array<i32>} : memref<32x512xf32, #tpu.memory_space<vmem>>, vector<1x16xf32>,
        %swap3A_209 = vector.shape_cast %swap3A_208 : vector<1x16xf32> to vector<16xf32>
        %swap3A_210 = vector.shape_cast %select_n3A_205 : vector<16xf32> to vector<1x16xf32>
        tpu.vector_store %arg6[%swap3A_206, %swap3A_207], %swap3A_210 {strides = array<i32>} : memref<32x512xf32, #tpu.memory_space<vmem>>, vector<1x16xf32>,
        %get3A_211 = arith.index_cast %add3A_159 : i32 to index
        %get3A_212 = arith.constant 96 : index
        %get3A_213 = tpu.vector_load %arg6[%get3A_211, %get3A_212] {strides = array<i32>} : memref<32x512xf32, #tpu.memory_space<vmem>>, vector<1x16xf32>,
        %get3A_214 = vector.shape_cast %get3A_213 : vector<1x16xf32> to vector<16xf32>
        %eq3A_215 = arith.constant 4 : i32
        %eq3A_216 = vector.broadcast %eq3A_215 : i32 to vector<16xi32>
        %eq3A_217 = arith.cmpi eq, %iota3A, %eq3A_216 : vector<16xi32>
        %jit3A_218 = arith.constant 0.000000e+00 : f32
        %broadcast_in_dim3A_219 = vector.broadcast %jit3A_218 : f32 to vector<16xf32>
        %select_n3A_220 = arith.select %eq3A_217, %broadcast_in_dim3A_219, %get3A_214 : vector<16xi1>, vector<16xf32>
        %swap3A_221 = arith.index_cast %add3A_159 : i32 to index
        %swap3A_222 = arith.constant 96 : index
        %swap3A_223 = tpu.vector_load %arg6[%swap3A_221, %swap3A_222] {strides = array<i32>} : memref<32x512xf32, #tpu.memory_space<vmem>>, vector<1x16xf32>,
        %swap3A_224 = vector.shape_cast %swap3A_223 : vector<1x16xf32> to vector<16xf32>
        %swap3A_225 = vector.shape_cast %select_n3A_220 : vector<16xf32> to vector<1x16xf32>
        tpu.vector_store %arg6[%swap3A_221, %swap3A_222], %swap3A_225 {strides = array<i32>} : memref<32x512xf32, #tpu.memory_space<vmem>>, vector<1x16xf32>,
        %get3A_226 = arith.index_cast %add3A_159 : i32 to index
        %get3A_227 = arith.constant 112 : index
        %get3A_228 = tpu.vector_load %arg6[%get3A_226, %get3A_227] {strides = array<i32>} : memref<32x512xf32, #tpu.memory_space<vmem>>, vector<1x16xf32>,
        %get3A_229 = vector.shape_cast %get3A_228 : vector<1x16xf32> to vector<16xf32>
        %eq3A_230 = arith.constant 6 : i32
        %eq3A_231 = vector.broadcast %eq3A_230 : i32 to vector<16xi32>
        %eq3A_232 = arith.cmpi eq, %iota3A, %eq3A_231 : vector<16xi32>
        %jit3A_233 = arith.constant 0.000000e+00 : f32
        %broadcast_in_dim3A_234 = vector.broadcast %jit3A_233 : f32 to vector<16xf32>
        %select_n3A_235 = arith.select %eq3A_232, %broadcast_in_dim3A_234, %get3A_229 : vector<16xi1>, vector<16xf32>
        %swap3A_236 = arith.index_cast %add3A_159 : i32 to index
        %swap3A_237 = arith.constant 112 : index
        %swap3A_238 = tpu.vector_load %arg6[%swap3A_236, %swap3A_237] {strides = array<i32>} : memref<32x512xf32, #tpu.memory_space<vmem>>, vector<1x16xf32>,
        %swap3A_239 = vector.shape_cast %swap3A_238 : vector<1x16xf32> to vector<16xf32>
        %swap3A_240 = vector.shape_cast %select_n3A_235 : vector<16xf32> to vector<1x16xf32>
        tpu.vector_store %arg6[%swap3A_236, %swap3A_237], %swap3A_240 {strides = array<i32>} : memref<32x512xf32, #tpu.memory_space<vmem>>, vector<1x16xf32>,
        %get3A_241 = arith.index_cast %add3A_159 : i32 to index
        %get3A_242 = arith.constant 224 : index
        %get3A_243 = tpu.vector_load %arg6[%get3A_241, %get3A_242] {strides = array<i32>} : memref<32x512xf32, #tpu.memory_space<vmem>>, vector<1x16xf32>,
        %get3A_244 = vector.shape_cast %get3A_243 : vector<1x16xf32> to vector<16xf32>
        %eq3A_245 = arith.constant 14 : i32
        %eq3A_246 = vector.broadcast %eq3A_245 : i32 to vector<16xi32>
        %eq3A_247 = arith.cmpi eq, %iota3A, %eq3A_246 : vector<16xi32>
        %jit3A_248 = arith.constant 0.000000e+00 : f32
        %broadcast_in_dim3A_249 = vector.broadcast %jit3A_248 : f32 to vector<16xf32>
        %select_n3A_250 = arith.select %eq3A_247, %broadcast_in_dim3A_249, %get3A_244 : vector<16xi1>, vector<16xf32>
        %swap3A_251 = arith.index_cast %add3A_159 : i32 to index
        %swap3A_252 = arith.constant 224 : index
        %swap3A_253 = tpu.vector_load %arg6[%swap3A_251, %swap3A_252] {strides = array<i32>} : memref<32x512xf32, #tpu.memory_space<vmem>>, vector<1x16xf32>,
        %swap3A_254 = vector.shape_cast %swap3A_253 : vector<1x16xf32> to vector<16xf32>
        %swap3A_255 = vector.shape_cast %select_n3A_250 : vector<16xf32> to vector<1x16xf32>
        tpu.vector_store %arg6[%swap3A_251, %swap3A_252], %swap3A_255 {strides = array<i32>} : memref<32x512xf32, #tpu.memory_space<vmem>>, vector<1x16xf32>,
        %get3A_256 = arith.index_cast %add3A_159 : i32 to index
        %get3A_257 = arith.constant 272 : index
        %get3A_258 = tpu.vector_load %arg6[%get3A_256, %get3A_257] {strides = array<i32>} : memref<32x512xf32, #tpu.memory_space<vmem>>, vector<1x16xf32>,
        %get3A_259 = vector.shape_cast %get3A_258 : vector<1x16xf32> to vector<16xf32>
        %eq3A_260 = arith.constant 11 : i32
        %eq3A_261 = vector.broadcast %eq3A_260 : i32 to vector<16xi32>
        %eq3A_262 = arith.cmpi eq, %iota3A, %eq3A_261 : vector<16xi32>
        %jit3A_263 = arith.constant 0.000000e+00 : f32
        %broadcast_in_dim3A_264 = vector.broadcast %jit3A_263 : f32 to vector<16xf32>
        %select_n3A_265 = arith.select %eq3A_262, %broadcast_in_dim3A_264, %get3A_259 : vector<16xi1>, vector<16xf32>
        %swap3A_266 = arith.index_cast %add3A_159 : i32 to index
        %swap3A_267 = arith.constant 272 : index
        %swap3A_268 = tpu.vector_load %arg6[%swap3A_266, %swap3A_267] {strides = array<i32>} : memref<32x512xf32, #tpu.memory_space<vmem>>, vector<1x16xf32>,
        %swap3A_269 = vector.shape_cast %swap3A_268 : vector<1x16xf32> to vector<16xf32>
        %swap3A_270 = vector.shape_cast %select_n3A_265 : vector<16xf32> to vector<1x16xf32>
        tpu.vector_store %arg6[%swap3A_266, %swap3A_267], %swap3A_270 {strides = array<i32>} : memref<32x512xf32, #tpu.memory_space<vmem>>, vector<1x16xf32>,
        %get3A_271 = arith.index_cast %add3A_159 : i32 to index
        %get3A_272 = arith.constant 288 : index
        %get3A_273 = tpu.vector_load %arg6[%get3A_271, %get3A_272] {strides = array<i32>} : memref<32x512xf32, #tpu.memory_space<vmem>>, vector<1x16xf32>,
        %get3A_274 = vector.shape_cast %get3A_273 : vector<1x16xf32> to vector<16xf32>
        %eq3A_275 = arith.constant 5 : i32
        %eq3A_276 = vector.broadcast %eq3A_275 : i32 to vector<16xi32>
        %eq3A_277 = arith.cmpi eq, %iota3A, %eq3A_276 : vector<16xi32>
        %jit3A_278 = arith.constant 0.000000e+00 : f32
        %broadcast_in_dim3A_279 = vector.broadcast %jit3A_278 : f32 to vector<16xf32>
        %select_n3A_280 = arith.select %eq3A_277, %broadcast_in_dim3A_279, %get3A_274 : vector<16xi1>, vector<16xf32>
        %eq3A_281 = arith.constant 14 : i32
        %eq3A_282 = vector.broadcast %eq3A_281 : i32 to vector<16xi32>
        %eq3A_283 = arith.cmpi eq, %iota3A, %eq3A_282 : vector<16xi32>
        %jit3A_284 = arith.constant 0.000000e+00 : f32
        %broadcast_in_dim3A_285 = vector.broadcast %jit3A_284 : f32 to vector<16xf32>
        %select_n3A_286 = arith.select %eq3A_283, %broadcast_in_dim3A_285, %select_n3A_280 : vector<16xi1>, vector<16xf32>
        %eq3A_287 = arith.constant 15 : i32
        %eq3A_288 = vector.broadcast %eq3A_287 : i32 to vector<16xi32>
        %eq3A_289 = arith.cmpi eq, %iota3A, %eq3A_288 : vector<16xi32>
        %jit3A_290 = arith.constant 0.000000e+00 : f32
        %broadcast_in_dim3A_291 = vector.broadcast %jit3A_290 : f32 to vector<16xf32>
        %select_n3A_292 = arith.select %eq3A_289, %broadcast_in_dim3A_291, %select_n3A_286 : vector<16xi1>, vector<16xf32>
        %swap3A_293 = arith.index_cast %add3A_159 : i32 to index
        %swap3A_294 = arith.constant 288 : index
        %swap3A_295 = tpu.vector_load %arg6[%swap3A_293, %swap3A_294] {strides = array<i32>} : memref<32x512xf32, #tpu.memory_space<vmem>>, vector<1x16xf32>,
        %swap3A_296 = vector.shape_cast %swap3A_295 : vector<1x16xf32> to vector<16xf32>
        %swap3A_297 = vector.shape_cast %select_n3A_292 : vector<16xf32> to vector<1x16xf32>
        tpu.vector_store %arg6[%swap3A_293, %swap3A_294], %swap3A_297 {strides = array<i32>} : memref<32x512xf32, #tpu.memory_space<vmem>>, vector<1x16xf32>,
        %get3A_298 = arith.index_cast %add3A_159 : i32 to index
        %get3A_299 = arith.constant 336 : index
        %get3A_300 = tpu.vector_load %arg6[%get3A_298, %get3A_299] {strides = array<i32>} : memref<32x512xf32, #tpu.memory_space<vmem>>, vector<1x16xf32>,
        %get3A_301 = vector.shape_cast %get3A_300 : vector<1x16xf32> to vector<16xf32>
        %eq3A_302 = arith.constant 10 : i32
        %eq3A_303 = vector.broadcast %eq3A_302 : i32 to vector<16xi32>
        %eq3A_304 = arith.cmpi eq, %iota3A, %eq3A_303 : vector<16xi32>
        %jit3A_305 = arith.constant 0.000000e+00 : f32
        %broadcast_in_dim3A_306 = vector.broadcast %jit3A_305 : f32 to vector<16xf32>
        %select_n3A_307 = arith.select %eq3A_304, %broadcast_in_dim3A_306, %get3A_301 : vector<16xi1>, vector<16xf32>
        %swap3A_308 = arith.index_cast %add3A_159 : i32 to index
        %swap3A_309 = arith.constant 336 : index
        %swap3A_310 = tpu.vector_load %arg6[%swap3A_308, %swap3A_309] {strides = array<i32>} : memref<32x512xf32, #tpu.memory_space<vmem>>, vector<1x16xf32>,
        %swap3A_311 = vector.shape_cast %swap3A_310 : vector<1x16xf32> to vector<16xf32>
        %swap3A_312 = vector.shape_cast %select_n3A_307 : vector<16xf32> to vector<1x16xf32>
        tpu.vector_store %arg6[%swap3A_308, %swap3A_309], %swap3A_312 {strides = array<i32>} : memref<32x512xf32, #tpu.memory_space<vmem>>, vector<1x16xf32>,
        %get3A_313 = arith.index_cast %add3A_159 : i32 to index
        %get3A_314 = arith.constant 352 : index
        %get3A_315 = tpu.vector_load %arg6[%get3A_313, %get3A_314] {strides = array<i32>} : memref<32x512xf32, #tpu.memory_space<vmem>>, vector<1x16xf32>,
        %get3A_316 = vector.shape_cast %get3A_315 : vector<1x16xf32> to vector<16xf32>
        %eq3A_317 = arith.constant 4 : i32
        %eq3A_318 = vector.broadcast %eq3A_317 : i32 to vector<16xi32>
        %eq3A_319 = arith.cmpi eq, %iota3A, %eq3A_318 : vector<16xi32>
        %jit3A_320 = arith.constant 0.000000e+00 : f32
        %broadcast_in_dim3A_321 = vector.broadcast %jit3A_320 : f32 to vector<16xf32>
        %select_n3A_322 = arith.select %eq3A_319, %broadcast_in_dim3A_321, %get3A_316 : vector<16xi1>, vector<16xf32>
        %swap3A_323 = arith.index_cast %add3A_159 : i32 to index
        %swap3A_324 = arith.constant 352 : index
        %swap3A_325 = tpu.vector_load %arg6[%swap3A_323, %swap3A_324] {strides = array<i32>} : memref<32x512xf32, #tpu.memory_space<vmem>>, vector<1x16xf32>,
        %swap3A_326 = vector.shape_cast %swap3A_325 : vector<1x16xf32> to vector<16xf32>
        %swap3A_327 = vector.shape_cast %select_n3A_322 : vector<16xf32> to vector<1x16xf32>
        tpu.vector_store %arg6[%swap3A_323, %swap3A_324], %swap3A_327 {strides = array<i32>} : memref<32x512xf32, #tpu.memory_space<vmem>>, vector<1x16xf32>,
        %get3A_328 = arith.index_cast %add3A_159 : i32 to index
        %get3A_329 = arith.constant 368 : index
        %get3A_330 = tpu.vector_load %arg6[%get3A_328, %get3A_329] {strides = array<i32>} : memref<32x512xf32, #tpu.memory_space<vmem>>, vector<1x16xf32>,
        %get3A_331 = vector.shape_cast %get3A_330 : vector<1x16xf32> to vector<16xf32>
        %eq3A_332 = arith.constant 6 : i32
        %eq3A_333 = vector.broadcast %eq3A_332 : i32 to vector<16xi32>
        %eq3A_334 = arith.cmpi eq, %iota3A, %eq3A_333 : vector<16xi32>
        %jit3A_335 = arith.constant 0.000000e+00 : f32
        %broadcast_in_dim3A_336 = vector.broadcast %jit3A_335 : f32 to vector<16xf32>
        %select_n3A_337 = arith.select %eq3A_334, %broadcast_in_dim3A_336, %get3A_331 : vector<16xi1>, vector<16xf32>
        %swap3A_338 = arith.index_cast %add3A_159 : i32 to index
        %swap3A_339 = arith.constant 368 : index
        %swap3A_340 = tpu.vector_load %arg6[%swap3A_338, %swap3A_339] {strides = array<i32>} : memref<32x512xf32, #tpu.memory_space<vmem>>, vector<1x16xf32>,
        %swap3A_341 = vector.shape_cast %swap3A_340 : vector<1x16xf32> to vector<16xf32>
        %swap3A_342 = vector.shape_cast %select_n3A_337 : vector<16xf32> to vector<1x16xf32>
        tpu.vector_store %arg6[%swap3A_338, %swap3A_339], %swap3A_342 {strides = array<i32>} : memref<32x512xf32, #tpu.memory_space<vmem>>, vector<1x16xf32>,
        %get3A_343 = arith.index_cast %add3A_159 : i32 to index
        %get3A_344 = arith.constant 480 : index
        %get3A_345 = tpu.vector_load %arg6[%get3A_343, %get3A_344] {strides = array<i32>} : memref<32x512xf32, #tpu.memory_space<vmem>>, vector<1x16xf32>,
        %get3A_346 = vector.shape_cast %get3A_345 : vector<1x16xf32> to vector<16xf32>
        %eq3A_347 = arith.constant 14 : i32
        %eq3A_348 = vector.broadcast %eq3A_347 : i32 to vector<16xi32>
        %eq3A_349 = arith.cmpi eq, %iota3A, %eq3A_348 : vector<16xi32>
        %jit3A_350 = arith.constant 0.000000e+00 : f32
        %broadcast_in_dim3A_351 = vector.broadcast %jit3A_350 : f32 to vector<16xf32>
        %select_n3A_352 = arith.select %eq3A_349, %broadcast_in_dim3A_351, %get3A_346 : vector<16xi1>, vector<16xf32>
        %swap3A_353 = arith.index_cast %add3A_159 : i32 to index
        %swap3A_354 = arith.constant 480 : index
        %swap3A_355 = tpu.vector_load %arg6[%swap3A_353, %swap3A_354] {strides = array<i32>} : memref<32x512xf32, #tpu.memory_space<vmem>>, vector<1x16xf32>,
        %swap3A_356 = vector.shape_cast %swap3A_355 : vector<1x16xf32> to vector<16xf32>
        %swap3A_357 = vector.shape_cast %select_n3A_352 : vector<16xf32> to vector<1x16xf32>
        tpu.vector_store %arg6[%swap3A_353, %swap3A_354], %swap3A_357 {strides = array<i32>} : memref<32x512xf32, #tpu.memory_space<vmem>>, vector<1x16xf32>,
      }
      %scan3A_112 = arith.constant 32 : i32
      %mul3A_113 = arith.constant 32 : i32
      %mul3A_114 = arith.muli %add3A_100, %mul3A_113 : i32
      %add3A_115 = arith.addi %mul3A_2, %mul3A_114 : i32
      %dma_start3A_116 = arith.constant 0 : i32
      %dma_start3A_117 = tpu.memref_slice %arg3[%add3A_115, %dma_start3A_116] : memref<65536x512xf32, #tpu.memory_space<hbm>> -> memref<32x512xf32, #tpu.memory_space<hbm>>
      %dma_start3A_118 = arith.constant 0 : i32
      %dma_start3A_119 = tpu.memref_slice %arg3[%add3A_115, %dma_start3A_118] : memref<65536x512xf32, #tpu.memory_space<hbm>> -> memref<32x512xf32, #tpu.memory_space<hbm>>
      tpu.enqueue_dma source(%arg6 : memref<32x512xf32, #tpu.memory_space<vmem>>) target(%dma_start3A_119 : memref<32x512xf32, #tpu.memory_space<hbm>>) target_semaphore(%arg14 : memref<!tpu.dma_semaphore, #tpu.memory_space<semaphore_mem>>)
      %add3A_120 = arith.constant 2 : i32
      %add3A_121 = arith.addi %add3A_100, %add3A_120 : i32
      %lt3A_122 = arith.constant 64 : i32
      %lt3A_123 = arith.cmpi slt, %add3A_121, %lt3A_122 : i32
      %convert_element_type3A_124 = arith.extui %lt3A_123 : i1 to i32
      %cond3A_125 = arith.constant 0 : i32
      %cond3A_126 = arith.cmpi ne, %convert_element_type3A_124, %cond3A_125 : i32
      scf.if %cond3A_126 {
        %ge3A = arith.constant 4 : i32
        %ge3A_155 = arith.cmpi sge, %add3A_121, %ge3A : i32
        %convert_element_type3A_156 = arith.extui %ge3A_155 : i1 to i32
        %cond3A_157 = arith.constant 0 : i32
        %cond3A_158 = arith.cmpi ne, %convert_element_type3A_156, %cond3A_157 : i32
        scf.if %cond3A_158 {
          %sub3A = arith.constant 4 : i32
          %sub3A_166 = arith.subi %add3A_121, %sub3A : i32
          %mul3A_167 = arith.constant 32 : i32
          %mul3A_168 = arith.muli %sub3A_166, %mul3A_167 : i32
          %add3A_169 = arith.addi %mul3A_2, %mul3A_168 : i32
          %dma_wait3A_170 = arith.constant 0 : i32
          %dma_wait3A_171 = tpu.memref_slice %arg3[%add3A_169, %dma_wait3A_170] : memref<65536x512xf32, #tpu.memory_space<hbm>> -> memref<32x512xf32, #tpu.memory_space<hbm>>
          %dma_wait3A_172 = arith.constant 0 : i32
          %dma_wait3A_173 = tpu.memref_slice %arg3[%add3A_169, %dma_wait3A_172] : memref<65536x512xf32, #tpu.memory_space<hbm>> -> memref<32x512xf32, #tpu.memory_space<hbm>>
          tpu.wait_dma2 semaphore(%arg12 : memref<!tpu.dma_semaphore, #tpu.memory_space<semaphore_mem>>) src(%arg4 : memref<32x512xf32, #tpu.memory_space<vmem>>) dst(%dma_wait3A_173 : memref<32x512xf32, #tpu.memory_space<hbm>>)
        } else {
        }
        %mul3A_159 = arith.constant 32 : i32
        %mul3A_160 = arith.muli %add3A_121, %mul3A_159 : i32
        %add3A_161 = arith.addi %mul3A_2, %mul3A_160 : i32
        %dma_start3A_162 = arith.constant 0 : i32
        %dma_start3A_163 = tpu.memref_slice %arg2[%add3A_161, %dma_start3A_162] : memref<65536x512xf32, #tpu.memory_space<hbm>> -> memref<32x512xf32, #tpu.memory_space<hbm>>
        %dma_start3A_164 = arith.constant 0 : i32
        %dma_start3A_165 = tpu.memref_slice %arg2[%add3A_161, %dma_start3A_164] : memref<65536x512xf32, #tpu.memory_space<hbm>> -> memref<32x512xf32, #tpu.memory_space<hbm>>
        tpu.enqueue_dma source(%dma_start3A_165 : memref<32x512xf32, #tpu.memory_space<hbm>>) target(%arg4 : memref<32x512xf32, #tpu.memory_space<vmem>>) target_semaphore(%arg8 : memref<!tpu.dma_semaphore, #tpu.memory_space<semaphore_mem>>)
      } else {
      }
      %add3A_127 = arith.constant 3 : i32
      %add3A_128 = arith.addi %add3A_45, %add3A_127 : i32
      %mul3A_129 = arith.constant 32 : i32
      %mul3A_130 = arith.muli %add3A_128, %mul3A_129 : i32
      %add3A_131 = arith.addi %mul3A_2, %mul3A_130 : i32
      %dma_wait3A_132 = arith.constant 0 : i32
      %dma_wait3A_133 = tpu.memref_slice %arg2[%add3A_131, %dma_wait3A_132] : memref<65536x512xf32, #tpu.memory_space<hbm>> -> memref<32x512xf32, #tpu.memory_space<hbm>>
      %dma_wait3A_134 = arith.constant 0 : i32
      %dma_wait3A_135 = tpu.memref_slice %arg2[%add3A_131, %dma_wait3A_134] : memref<65536x512xf32, #tpu.memory_space<hbm>> -> memref<32x512xf32, #tpu.memory_space<hbm>>
      tpu.wait_dma2 semaphore(%arg11 : memref<!tpu.dma_semaphore, #tpu.memory_space<semaphore_mem>>) src(%dma_wait3A_135 : memref<32x512xf32, #tpu.memory_space<hbm>>) dst(%arg7 : memref<32x512xf32, #tpu.memory_space<vmem>>)
      %scan3A_136 = arith.constant 0 : i32
      %scan3A_137 = arith.constant 32 : i32
      %scan3A_138 = arith.addi %scan3A_136, %scan3A_137 : i32
      %scan3A_139 = arith.constant 1 : i32
      scf.for %scan3A_155 = %scan3A_136 to %scan3A_138 step %scan3A_139  : i32 {
        %mul3A_156 = arith.constant 1 : i32
        %mul3A_157 = arith.muli %scan3A_155, %mul3A_156 : i32
        %add3A_158 = arith.constant 0 : i32
        %add3A_159 = arith.addi %add3A_158, %mul3A_157 : i32
        %get3A = arith.index_cast %add3A_159 : i32 to index
        %get3A_160 = arith.constant 16 : index
        %get3A_161 = tpu.vector_load %arg7[%get3A, %get3A_160] {strides = array<i32>} : memref<32x512xf32, #tpu.memory_space<vmem>>, vector<1x16xf32>,
        %get3A_162 = vector.shape_cast %get3A_161 : vector<1x16xf32> to vector<16xf32>
        %eq3A = arith.constant 11 : i32
        %eq3A_163 = vector.broadcast %eq3A : i32 to vector<16xi32>
        %eq3A_164 = arith.cmpi eq, %iota3A, %eq3A_163 : vector<16xi32>
        %jit3A = arith.constant 0.000000e+00 : f32
        %broadcast_in_dim3A = vector.broadcast %jit3A : f32 to vector<16xf32>
        %select_n3A = arith.select %eq3A_164, %broadcast_in_dim3A, %get3A_162 : vector<16xi1>, vector<16xf32>
        %swap3A = arith.index_cast %add3A_159 : i32 to index
        %swap3A_165 = arith.constant 16 : index
        %swap3A_166 = tpu.vector_load %arg7[%swap3A, %swap3A_165] {strides = array<i32>} : memref<32x512xf32, #tpu.memory_space<vmem>>, vector<1x16xf32>,
        %swap3A_167 = vector.shape_cast %swap3A_166 : vector<1x16xf32> to vector<16xf32>
        %swap3A_168 = vector.shape_cast %select_n3A : vector<16xf32> to vector<1x16xf32>
        tpu.vector_store %arg7[%swap3A, %swap3A_165], %swap3A_168 {strides = array<i32>} : memref<32x512xf32, #tpu.memory_space<vmem>>, vector<1x16xf32>,
        %get3A_169 = arith.index_cast %add3A_159 : i32 to index
        %get3A_170 = arith.constant 32 : index
        %get3A_171 = tpu.vector_load %arg7[%get3A_169, %get3A_170] {strides = array<i32>} : memref<32x512xf32, #tpu.memory_space<vmem>>, vector<1x16xf32>,
        %get3A_172 = vector.shape_cast %get3A_171 : vector<1x16xf32> to vector<16xf32>
        %eq3A_173 = arith.constant 5 : i32
        %eq3A_174 = vector.broadcast %eq3A_173 : i32 to vector<16xi32>
        %eq3A_175 = arith.cmpi eq, %iota3A, %eq3A_174 : vector<16xi32>
        %jit3A_176 = arith.constant 0.000000e+00 : f32
        %broadcast_in_dim3A_177 = vector.broadcast %jit3A_176 : f32 to vector<16xf32>
        %select_n3A_178 = arith.select %eq3A_175, %broadcast_in_dim3A_177, %get3A_172 : vector<16xi1>, vector<16xf32>
        %eq3A_179 = arith.constant 14 : i32
        %eq3A_180 = vector.broadcast %eq3A_179 : i32 to vector<16xi32>
        %eq3A_181 = arith.cmpi eq, %iota3A, %eq3A_180 : vector<16xi32>
        %jit3A_182 = arith.constant 0.000000e+00 : f32
        %broadcast_in_dim3A_183 = vector.broadcast %jit3A_182 : f32 to vector<16xf32>
        %select_n3A_184 = arith.select %eq3A_181, %broadcast_in_dim3A_183, %select_n3A_178 : vector<16xi1>, vector<16xf32>
        %eq3A_185 = arith.constant 15 : i32
        %eq3A_186 = vector.broadcast %eq3A_185 : i32 to vector<16xi32>
        %eq3A_187 = arith.cmpi eq, %iota3A, %eq3A_186 : vector<16xi32>
        %jit3A_188 = arith.constant 0.000000e+00 : f32
        %broadcast_in_dim3A_189 = vector.broadcast %jit3A_188 : f32 to vector<16xf32>
        %select_n3A_190 = arith.select %eq3A_187, %broadcast_in_dim3A_189, %select_n3A_184 : vector<16xi1>, vector<16xf32>
        %swap3A_191 = arith.index_cast %add3A_159 : i32 to index
        %swap3A_192 = arith.constant 32 : index
        %swap3A_193 = tpu.vector_load %arg7[%swap3A_191, %swap3A_192] {strides = array<i32>} : memref<32x512xf32, #tpu.memory_space<vmem>>, vector<1x16xf32>,
        %swap3A_194 = vector.shape_cast %swap3A_193 : vector<1x16xf32> to vector<16xf32>
        %swap3A_195 = vector.shape_cast %select_n3A_190 : vector<16xf32> to vector<1x16xf32>
        tpu.vector_store %arg7[%swap3A_191, %swap3A_192], %swap3A_195 {strides = array<i32>} : memref<32x512xf32, #tpu.memory_space<vmem>>, vector<1x16xf32>,
        %get3A_196 = arith.index_cast %add3A_159 : i32 to index
        %get3A_197 = arith.constant 80 : index
        %get3A_198 = tpu.vector_load %arg7[%get3A_196, %get3A_197] {strides = array<i32>} : memref<32x512xf32, #tpu.memory_space<vmem>>, vector<1x16xf32>,
        %get3A_199 = vector.shape_cast %get3A_198 : vector<1x16xf32> to vector<16xf32>
        %eq3A_200 = arith.constant 10 : i32
        %eq3A_201 = vector.broadcast %eq3A_200 : i32 to vector<16xi32>
        %eq3A_202 = arith.cmpi eq, %iota3A, %eq3A_201 : vector<16xi32>
        %jit3A_203 = arith.constant 0.000000e+00 : f32
        %broadcast_in_dim3A_204 = vector.broadcast %jit3A_203 : f32 to vector<16xf32>
        %select_n3A_205 = arith.select %eq3A_202, %broadcast_in_dim3A_204, %get3A_199 : vector<16xi1>, vector<16xf32>
        %swap3A_206 = arith.index_cast %add3A_159 : i32 to index
        %swap3A_207 = arith.constant 80 : index
        %swap3A_208 = tpu.vector_load %arg7[%swap3A_206, %swap3A_207] {strides = array<i32>} : memref<32x512xf32, #tpu.memory_space<vmem>>, vector<1x16xf32>,
        %swap3A_209 = vector.shape_cast %swap3A_208 : vector<1x16xf32> to vector<16xf32>
        %swap3A_210 = vector.shape_cast %select_n3A_205 : vector<16xf32> to vector<1x16xf32>
        tpu.vector_store %arg7[%swap3A_206, %swap3A_207], %swap3A_210 {strides = array<i32>} : memref<32x512xf32, #tpu.memory_space<vmem>>, vector<1x16xf32>,
        %get3A_211 = arith.index_cast %add3A_159 : i32 to index
        %get3A_212 = arith.constant 96 : index
        %get3A_213 = tpu.vector_load %arg7[%get3A_211, %get3A_212] {strides = array<i32>} : memref<32x512xf32, #tpu.memory_space<vmem>>, vector<1x16xf32>,
        %get3A_214 = vector.shape_cast %get3A_213 : vector<1x16xf32> to vector<16xf32>
        %eq3A_215 = arith.constant 4 : i32
        %eq3A_216 = vector.broadcast %eq3A_215 : i32 to vector<16xi32>
        %eq3A_217 = arith.cmpi eq, %iota3A, %eq3A_216 : vector<16xi32>
        %jit3A_218 = arith.constant 0.000000e+00 : f32
        %broadcast_in_dim3A_219 = vector.broadcast %jit3A_218 : f32 to vector<16xf32>
        %select_n3A_220 = arith.select %eq3A_217, %broadcast_in_dim3A_219, %get3A_214 : vector<16xi1>, vector<16xf32>
        %swap3A_221 = arith.index_cast %add3A_159 : i32 to index
        %swap3A_222 = arith.constant 96 : index
        %swap3A_223 = tpu.vector_load %arg7[%swap3A_221, %swap3A_222] {strides = array<i32>} : memref<32x512xf32, #tpu.memory_space<vmem>>, vector<1x16xf32>,
        %swap3A_224 = vector.shape_cast %swap3A_223 : vector<1x16xf32> to vector<16xf32>
        %swap3A_225 = vector.shape_cast %select_n3A_220 : vector<16xf32> to vector<1x16xf32>
        tpu.vector_store %arg7[%swap3A_221, %swap3A_222], %swap3A_225 {strides = array<i32>} : memref<32x512xf32, #tpu.memory_space<vmem>>, vector<1x16xf32>,
        %get3A_226 = arith.index_cast %add3A_159 : i32 to index
        %get3A_227 = arith.constant 112 : index
        %get3A_228 = tpu.vector_load %arg7[%get3A_226, %get3A_227] {strides = array<i32>} : memref<32x512xf32, #tpu.memory_space<vmem>>, vector<1x16xf32>,
        %get3A_229 = vector.shape_cast %get3A_228 : vector<1x16xf32> to vector<16xf32>
        %eq3A_230 = arith.constant 6 : i32
        %eq3A_231 = vector.broadcast %eq3A_230 : i32 to vector<16xi32>
        %eq3A_232 = arith.cmpi eq, %iota3A, %eq3A_231 : vector<16xi32>
        %jit3A_233 = arith.constant 0.000000e+00 : f32
        %broadcast_in_dim3A_234 = vector.broadcast %jit3A_233 : f32 to vector<16xf32>
        %select_n3A_235 = arith.select %eq3A_232, %broadcast_in_dim3A_234, %get3A_229 : vector<16xi1>, vector<16xf32>
        %swap3A_236 = arith.index_cast %add3A_159 : i32 to index
        %swap3A_237 = arith.constant 112 : index
        %swap3A_238 = tpu.vector_load %arg7[%swap3A_236, %swap3A_237] {strides = array<i32>} : memref<32x512xf32, #tpu.memory_space<vmem>>, vector<1x16xf32>,
        %swap3A_239 = vector.shape_cast %swap3A_238 : vector<1x16xf32> to vector<16xf32>
        %swap3A_240 = vector.shape_cast %select_n3A_235 : vector<16xf32> to vector<1x16xf32>
        tpu.vector_store %arg7[%swap3A_236, %swap3A_237], %swap3A_240 {strides = array<i32>} : memref<32x512xf32, #tpu.memory_space<vmem>>, vector<1x16xf32>,
        %get3A_241 = arith.index_cast %add3A_159 : i32 to index
        %get3A_242 = arith.constant 224 : index
        %get3A_243 = tpu.vector_load %arg7[%get3A_241, %get3A_242] {strides = array<i32>} : memref<32x512xf32, #tpu.memory_space<vmem>>, vector<1x16xf32>,
        %get3A_244 = vector.shape_cast %get3A_243 : vector<1x16xf32> to vector<16xf32>
        %eq3A_245 = arith.constant 14 : i32
        %eq3A_246 = vector.broadcast %eq3A_245 : i32 to vector<16xi32>
        %eq3A_247 = arith.cmpi eq, %iota3A, %eq3A_246 : vector<16xi32>
        %jit3A_248 = arith.constant 0.000000e+00 : f32
        %broadcast_in_dim3A_249 = vector.broadcast %jit3A_248 : f32 to vector<16xf32>
        %select_n3A_250 = arith.select %eq3A_247, %broadcast_in_dim3A_249, %get3A_244 : vector<16xi1>, vector<16xf32>
        %swap3A_251 = arith.index_cast %add3A_159 : i32 to index
        %swap3A_252 = arith.constant 224 : index
        %swap3A_253 = tpu.vector_load %arg7[%swap3A_251, %swap3A_252] {strides = array<i32>} : memref<32x512xf32, #tpu.memory_space<vmem>>, vector<1x16xf32>,
        %swap3A_254 = vector.shape_cast %swap3A_253 : vector<1x16xf32> to vector<16xf32>
        %swap3A_255 = vector.shape_cast %select_n3A_250 : vector<16xf32> to vector<1x16xf32>
        tpu.vector_store %arg7[%swap3A_251, %swap3A_252], %swap3A_255 {strides = array<i32>} : memref<32x512xf32, #tpu.memory_space<vmem>>, vector<1x16xf32>,
        %get3A_256 = arith.index_cast %add3A_159 : i32 to index
        %get3A_257 = arith.constant 272 : index
        %get3A_258 = tpu.vector_load %arg7[%get3A_256, %get3A_257] {strides = array<i32>} : memref<32x512xf32, #tpu.memory_space<vmem>>, vector<1x16xf32>,
        %get3A_259 = vector.shape_cast %get3A_258 : vector<1x16xf32> to vector<16xf32>
        %eq3A_260 = arith.constant 11 : i32
        %eq3A_261 = vector.broadcast %eq3A_260 : i32 to vector<16xi32>
        %eq3A_262 = arith.cmpi eq, %iota3A, %eq3A_261 : vector<16xi32>
        %jit3A_263 = arith.constant 0.000000e+00 : f32
        %broadcast_in_dim3A_264 = vector.broadcast %jit3A_263 : f32 to vector<16xf32>
        %select_n3A_265 = arith.select %eq3A_262, %broadcast_in_dim3A_264, %get3A_259 : vector<16xi1>, vector<16xf32>
        %swap3A_266 = arith.index_cast %add3A_159 : i32 to index
        %swap3A_267 = arith.constant 272 : index
        %swap3A_268 = tpu.vector_load %arg7[%swap3A_266, %swap3A_267] {strides = array<i32>} : memref<32x512xf32, #tpu.memory_space<vmem>>, vector<1x16xf32>,
        %swap3A_269 = vector.shape_cast %swap3A_268 : vector<1x16xf32> to vector<16xf32>
        %swap3A_270 = vector.shape_cast %select_n3A_265 : vector<16xf32> to vector<1x16xf32>
        tpu.vector_store %arg7[%swap3A_266, %swap3A_267], %swap3A_270 {strides = array<i32>} : memref<32x512xf32, #tpu.memory_space<vmem>>, vector<1x16xf32>,
        %get3A_271 = arith.index_cast %add3A_159 : i32 to index
        %get3A_272 = arith.constant 288 : index
        %get3A_273 = tpu.vector_load %arg7[%get3A_271, %get3A_272] {strides = array<i32>} : memref<32x512xf32, #tpu.memory_space<vmem>>, vector<1x16xf32>,
        %get3A_274 = vector.shape_cast %get3A_273 : vector<1x16xf32> to vector<16xf32>
        %eq3A_275 = arith.constant 5 : i32
        %eq3A_276 = vector.broadcast %eq3A_275 : i32 to vector<16xi32>
        %eq3A_277 = arith.cmpi eq, %iota3A, %eq3A_276 : vector<16xi32>
        %jit3A_278 = arith.constant 0.000000e+00 : f32
        %broadcast_in_dim3A_279 = vector.broadcast %jit3A_278 : f32 to vector<16xf32>
        %select_n3A_280 = arith.select %eq3A_277, %broadcast_in_dim3A_279, %get3A_274 : vector<16xi1>, vector<16xf32>
        %eq3A_281 = arith.constant 14 : i32
        %eq3A_282 = vector.broadcast %eq3A_281 : i32 to vector<16xi32>
        %eq3A_283 = arith.cmpi eq, %iota3A, %eq3A_282 : vector<16xi32>
        %jit3A_284 = arith.constant 0.000000e+00 : f32
        %broadcast_in_dim3A_285 = vector.broadcast %jit3A_284 : f32 to vector<16xf32>
        %select_n3A_286 = arith.select %eq3A_283, %broadcast_in_dim3A_285, %select_n3A_280 : vector<16xi1>, vector<16xf32>
        %eq3A_287 = arith.constant 15 : i32
        %eq3A_288 = vector.broadcast %eq3A_287 : i32 to vector<16xi32>
        %eq3A_289 = arith.cmpi eq, %iota3A, %eq3A_288 : vector<16xi32>
        %jit3A_290 = arith.constant 0.000000e+00 : f32
        %broadcast_in_dim3A_291 = vector.broadcast %jit3A_290 : f32 to vector<16xf32>
        %select_n3A_292 = arith.select %eq3A_289, %broadcast_in_dim3A_291, %select_n3A_286 : vector<16xi1>, vector<16xf32>
        %swap3A_293 = arith.index_cast %add3A_159 : i32 to index
        %swap3A_294 = arith.constant 288 : index
        %swap3A_295 = tpu.vector_load %arg7[%swap3A_293, %swap3A_294] {strides = array<i32>} : memref<32x512xf32, #tpu.memory_space<vmem>>, vector<1x16xf32>,
        %swap3A_296 = vector.shape_cast %swap3A_295 : vector<1x16xf32> to vector<16xf32>
        %swap3A_297 = vector.shape_cast %select_n3A_292 : vector<16xf32> to vector<1x16xf32>
        tpu.vector_store %arg7[%swap3A_293, %swap3A_294], %swap3A_297 {strides = array<i32>} : memref<32x512xf32, #tpu.memory_space<vmem>>, vector<1x16xf32>,
        %get3A_298 = arith.index_cast %add3A_159 : i32 to index
        %get3A_299 = arith.constant 336 : index
        %get3A_300 = tpu.vector_load %arg7[%get3A_298, %get3A_299] {strides = array<i32>} : memref<32x512xf32, #tpu.memory_space<vmem>>, vector<1x16xf32>,
        %get3A_301 = vector.shape_cast %get3A_300 : vector<1x16xf32> to vector<16xf32>
        %eq3A_302 = arith.constant 10 : i32
        %eq3A_303 = vector.broadcast %eq3A_302 : i32 to vector<16xi32>
        %eq3A_304 = arith.cmpi eq, %iota3A, %eq3A_303 : vector<16xi32>
        %jit3A_305 = arith.constant 0.000000e+00 : f32
        %broadcast_in_dim3A_306 = vector.broadcast %jit3A_305 : f32 to vector<16xf32>
        %select_n3A_307 = arith.select %eq3A_304, %broadcast_in_dim3A_306, %get3A_301 : vector<16xi1>, vector<16xf32>
        %swap3A_308 = arith.index_cast %add3A_159 : i32 to index
        %swap3A_309 = arith.constant 336 : index
        %swap3A_310 = tpu.vector_load %arg7[%swap3A_308, %swap3A_309] {strides = array<i32>} : memref<32x512xf32, #tpu.memory_space<vmem>>, vector<1x16xf32>,
        %swap3A_311 = vector.shape_cast %swap3A_310 : vector<1x16xf32> to vector<16xf32>
        %swap3A_312 = vector.shape_cast %select_n3A_307 : vector<16xf32> to vector<1x16xf32>
        tpu.vector_store %arg7[%swap3A_308, %swap3A_309], %swap3A_312 {strides = array<i32>} : memref<32x512xf32, #tpu.memory_space<vmem>>, vector<1x16xf32>,
        %get3A_313 = arith.index_cast %add3A_159 : i32 to index
        %get3A_314 = arith.constant 352 : index
        %get3A_315 = tpu.vector_load %arg7[%get3A_313, %get3A_314] {strides = array<i32>} : memref<32x512xf32, #tpu.memory_space<vmem>>, vector<1x16xf32>,
        %get3A_316 = vector.shape_cast %get3A_315 : vector<1x16xf32> to vector<16xf32>
        %eq3A_317 = arith.constant 4 : i32
        %eq3A_318 = vector.broadcast %eq3A_317 : i32 to vector<16xi32>
        %eq3A_319 = arith.cmpi eq, %iota3A, %eq3A_318 : vector<16xi32>
        %jit3A_320 = arith.constant 0.000000e+00 : f32
        %broadcast_in_dim3A_321 = vector.broadcast %jit3A_320 : f32 to vector<16xf32>
        %select_n3A_322 = arith.select %eq3A_319, %broadcast_in_dim3A_321, %get3A_316 : vector<16xi1>, vector<16xf32>
        %swap3A_323 = arith.index_cast %add3A_159 : i32 to index
        %swap3A_324 = arith.constant 352 : index
        %swap3A_325 = tpu.vector_load %arg7[%swap3A_323, %swap3A_324] {strides = array<i32>} : memref<32x512xf32, #tpu.memory_space<vmem>>, vector<1x16xf32>,
        %swap3A_326 = vector.shape_cast %swap3A_325 : vector<1x16xf32> to vector<16xf32>
        %swap3A_327 = vector.shape_cast %select_n3A_322 : vector<16xf32> to vector<1x16xf32>
        tpu.vector_store %arg7[%swap3A_323, %swap3A_324], %swap3A_327 {strides = array<i32>} : memref<32x512xf32, #tpu.memory_space<vmem>>, vector<1x16xf32>,
        %get3A_328 = arith.index_cast %add3A_159 : i32 to index
        %get3A_329 = arith.constant 368 : index
        %get3A_330 = tpu.vector_load %arg7[%get3A_328, %get3A_329] {strides = array<i32>} : memref<32x512xf32, #tpu.memory_space<vmem>>, vector<1x16xf32>,
        %get3A_331 = vector.shape_cast %get3A_330 : vector<1x16xf32> to vector<16xf32>
        %eq3A_332 = arith.constant 6 : i32
        %eq3A_333 = vector.broadcast %eq3A_332 : i32 to vector<16xi32>
        %eq3A_334 = arith.cmpi eq, %iota3A, %eq3A_333 : vector<16xi32>
        %jit3A_335 = arith.constant 0.000000e+00 : f32
        %broadcast_in_dim3A_336 = vector.broadcast %jit3A_335 : f32 to vector<16xf32>
        %select_n3A_337 = arith.select %eq3A_334, %broadcast_in_dim3A_336, %get3A_331 : vector<16xi1>, vector<16xf32>
        %swap3A_338 = arith.index_cast %add3A_159 : i32 to index
        %swap3A_339 = arith.constant 368 : index
        %swap3A_340 = tpu.vector_load %arg7[%swap3A_338, %swap3A_339] {strides = array<i32>} : memref<32x512xf32, #tpu.memory_space<vmem>>, vector<1x16xf32>,
        %swap3A_341 = vector.shape_cast %swap3A_340 : vector<1x16xf32> to vector<16xf32>
        %swap3A_342 = vector.shape_cast %select_n3A_337 : vector<16xf32> to vector<1x16xf32>
        tpu.vector_store %arg7[%swap3A_338, %swap3A_339], %swap3A_342 {strides = array<i32>} : memref<32x512xf32, #tpu.memory_space<vmem>>, vector<1x16xf32>,
        %get3A_343 = arith.index_cast %add3A_159 : i32 to index
        %get3A_344 = arith.constant 480 : index
        %get3A_345 = tpu.vector_load %arg7[%get3A_343, %get3A_344] {strides = array<i32>} : memref<32x512xf32, #tpu.memory_space<vmem>>, vector<1x16xf32>,
        %get3A_346 = vector.shape_cast %get3A_345 : vector<1x16xf32> to vector<16xf32>
        %eq3A_347 = arith.constant 14 : i32
        %eq3A_348 = vector.broadcast %eq3A_347 : i32 to vector<16xi32>
        %eq3A_349 = arith.cmpi eq, %iota3A, %eq3A_348 : vector<16xi32>
        %jit3A_350 = arith.constant 0.000000e+00 : f32
        %broadcast_in_dim3A_351 = vector.broadcast %jit3A_350 : f32 to vector<16xf32>
        %select_n3A_352 = arith.select %eq3A_349, %broadcast_in_dim3A_351, %get3A_346 : vector<16xi1>, vector<16xf32>
        %swap3A_353 = arith.index_cast %add3A_159 : i32 to index
        %swap3A_354 = arith.constant 480 : index
        %swap3A_355 = tpu.vector_load %arg7[%swap3A_353, %swap3A_354] {strides = array<i32>} : memref<32x512xf32, #tpu.memory_space<vmem>>, vector<1x16xf32>,
        %swap3A_356 = vector.shape_cast %swap3A_355 : vector<1x16xf32> to vector<16xf32>
        %swap3A_357 = vector.shape_cast %select_n3A_352 : vector<16xf32> to vector<1x16xf32>
        tpu.vector_store %arg7[%swap3A_353, %swap3A_354], %swap3A_357 {strides = array<i32>} : memref<32x512xf32, #tpu.memory_space<vmem>>, vector<1x16xf32>,
      }
      %scan3A_140 = arith.constant 32 : i32
      %mul3A_141 = arith.constant 32 : i32
      %mul3A_142 = arith.muli %add3A_128, %mul3A_141 : i32
      %add3A_143 = arith.addi %mul3A_2, %mul3A_142 : i32
      %dma_start3A_144 = arith.constant 0 : i32
      %dma_start3A_145 = tpu.memref_slice %arg3[%add3A_143, %dma_start3A_144] : memref<65536x512xf32, #tpu.memory_space<hbm>> -> memref<32x512xf32, #tpu.memory_space<hbm>>
      %dma_start3A_146 = arith.constant 0 : i32
      %dma_start3A_147 = tpu.memref_slice %arg3[%add3A_143, %dma_start3A_146] : memref<65536x512xf32, #tpu.memory_space<hbm>> -> memref<32x512xf32, #tpu.memory_space<hbm>>
      tpu.enqueue_dma source(%arg7 : memref<32x512xf32, #tpu.memory_space<vmem>>) target(%dma_start3A_147 : memref<32x512xf32, #tpu.memory_space<hbm>>) target_semaphore(%arg15 : memref<!tpu.dma_semaphore, #tpu.memory_space<semaphore_mem>>)
      %add3A_148 = arith.constant 2 : i32
      %add3A_149 = arith.addi %add3A_128, %add3A_148 : i32
      %lt3A_150 = arith.constant 64 : i32
      %lt3A_151 = arith.cmpi slt, %add3A_149, %lt3A_150 : i32
      %convert_element_type3A_152 = arith.extui %lt3A_151 : i1 to i32
      %cond3A_153 = arith.constant 0 : i32
      %cond3A_154 = arith.cmpi ne, %convert_element_type3A_152, %cond3A_153 : i32
      scf.if %cond3A_154 {
        %ge3A = arith.constant 4 : i32
        %ge3A_155 = arith.cmpi sge, %add3A_149, %ge3A : i32
        %convert_element_type3A_156 = arith.extui %ge3A_155 : i1 to i32
        %cond3A_157 = arith.constant 0 : i32
        %cond3A_158 = arith.cmpi ne, %convert_element_type3A_156, %cond3A_157 : i32
        scf.if %cond3A_158 {
          %sub3A = arith.constant 4 : i32
          %sub3A_166 = arith.subi %add3A_149, %sub3A : i32
          %mul3A_167 = arith.constant 32 : i32
          %mul3A_168 = arith.muli %sub3A_166, %mul3A_167 : i32
          %add3A_169 = arith.addi %mul3A_2, %mul3A_168 : i32
          %dma_wait3A_170 = arith.constant 0 : i32
          %dma_wait3A_171 = tpu.memref_slice %arg3[%add3A_169, %dma_wait3A_170] : memref<65536x512xf32, #tpu.memory_space<hbm>> -> memref<32x512xf32, #tpu.memory_space<hbm>>
          %dma_wait3A_172 = arith.constant 0 : i32
          %dma_wait3A_173 = tpu.memref_slice %arg3[%add3A_169, %dma_wait3A_172] : memref<65536x512xf32, #tpu.memory_space<hbm>> -> memref<32x512xf32, #tpu.memory_space<hbm>>
          tpu.wait_dma2 semaphore(%arg13 : memref<!tpu.dma_semaphore, #tpu.memory_space<semaphore_mem>>) src(%arg5 : memref<32x512xf32, #tpu.memory_space<vmem>>) dst(%dma_wait3A_173 : memref<32x512xf32, #tpu.memory_space<hbm>>)
        } else {
        }
        %mul3A_159 = arith.constant 32 : i32
        %mul3A_160 = arith.muli %add3A_149, %mul3A_159 : i32
        %add3A_161 = arith.addi %mul3A_2, %mul3A_160 : i32
        %dma_start3A_162 = arith.constant 0 : i32
        %dma_start3A_163 = tpu.memref_slice %arg2[%add3A_161, %dma_start3A_162] : memref<65536x512xf32, #tpu.memory_space<hbm>> -> memref<32x512xf32, #tpu.memory_space<hbm>>
        %dma_start3A_164 = arith.constant 0 : i32
        %dma_start3A_165 = tpu.memref_slice %arg2[%add3A_161, %dma_start3A_164] : memref<65536x512xf32, #tpu.memory_space<hbm>> -> memref<32x512xf32, #tpu.memory_space<hbm>>
        tpu.enqueue_dma source(%dma_start3A_165 : memref<32x512xf32, #tpu.memory_space<hbm>>) target(%arg5 : memref<32x512xf32, #tpu.memory_space<vmem>>) target_semaphore(%arg9 : memref<!tpu.dma_semaphore, #tpu.memory_space<semaphore_mem>>)
      } else {
      }
    }
    %scan3A_17 = arith.constant 16 : i32
    %add3A_18 = arith.constant 1920 : i32
    %add3A_19 = arith.addi %mul3A_2, %add3A_18 : i32
    %dma_wait3A = arith.constant 0 : i32
    %dma_wait3A_20 = tpu.memref_slice %arg3[%add3A_19, %dma_wait3A] : memref<65536x512xf32, #tpu.memory_space<hbm>> -> memref<32x512xf32, #tpu.memory_space<hbm>>
    %dma_wait3A_21 = arith.constant 0 : i32
    %dma_wait3A_22 = tpu.memref_slice %arg3[%add3A_19, %dma_wait3A_21] : memref<65536x512xf32, #tpu.memory_space<hbm>> -> memref<32x512xf32, #tpu.memory_space<hbm>>
    tpu.wait_dma2 semaphore(%arg12 : memref<!tpu.dma_semaphore, #tpu.memory_space<semaphore_mem>>) src(%arg4 : memref<32x512xf32, #tpu.memory_space<vmem>>) dst(%dma_wait3A_22 : memref<32x512xf32, #tpu.memory_space<hbm>>)
    %add3A_23 = arith.constant 1952 : i32
    %add3A_24 = arith.addi %mul3A_2, %add3A_23 : i32
    %dma_wait3A_25 = arith.constant 0 : i32
    %dma_wait3A_26 = tpu.memref_slice %arg3[%add3A_24, %dma_wait3A_25] : memref<65536x512xf32, #tpu.memory_space<hbm>> -> memref<32x512xf32, #tpu.memory_space<hbm>>
    %dma_wait3A_27 = arith.constant 0 : i32
    %dma_wait3A_28 = tpu.memref_slice %arg3[%add3A_24, %dma_wait3A_27] : memref<65536x512xf32, #tpu.memory_space<hbm>> -> memref<32x512xf32, #tpu.memory_space<hbm>>
    tpu.wait_dma2 semaphore(%arg13 : memref<!tpu.dma_semaphore, #tpu.memory_space<semaphore_mem>>) src(%arg5 : memref<32x512xf32, #tpu.memory_space<vmem>>) dst(%dma_wait3A_28 : memref<32x512xf32, #tpu.memory_space<hbm>>)
    %add3A_29 = arith.constant 1984 : i32
    %add3A_30 = arith.addi %mul3A_2, %add3A_29 : i32
    %dma_wait3A_31 = arith.constant 0 : i32
    %dma_wait3A_32 = tpu.memref_slice %arg3[%add3A_30, %dma_wait3A_31] : memref<65536x512xf32, #tpu.memory_space<hbm>> -> memref<32x512xf32, #tpu.memory_space<hbm>>
    %dma_wait3A_33 = arith.constant 0 : i32
    %dma_wait3A_34 = tpu.memref_slice %arg3[%add3A_30, %dma_wait3A_33] : memref<65536x512xf32, #tpu.memory_space<hbm>> -> memref<32x512xf32, #tpu.memory_space<hbm>>
    tpu.wait_dma2 semaphore(%arg14 : memref<!tpu.dma_semaphore, #tpu.memory_space<semaphore_mem>>) src(%arg6 : memref<32x512xf32, #tpu.memory_space<vmem>>) dst(%dma_wait3A_34 : memref<32x512xf32, #tpu.memory_space<hbm>>)
    %add3A_35 = arith.constant 2016 : i32
    %add3A_36 = arith.addi %mul3A_2, %add3A_35 : i32
    %dma_wait3A_37 = arith.constant 0 : i32
    %dma_wait3A_38 = tpu.memref_slice %arg3[%add3A_36, %dma_wait3A_37] : memref<65536x512xf32, #tpu.memory_space<hbm>> -> memref<32x512xf32, #tpu.memory_space<hbm>>
    %dma_wait3A_39 = arith.constant 0 : i32
    %dma_wait3A_40 = tpu.memref_slice %arg3[%add3A_36, %dma_wait3A_39] : memref<65536x512xf32, #tpu.memory_space<hbm>> -> memref<32x512xf32, #tpu.memory_space<hbm>>
    tpu.wait_dma2 semaphore(%arg15 : memref<!tpu.dma_semaphore, #tpu.memory_space<semaphore_mem>>) src(%arg7 : memref<32x512xf32, #tpu.memory_space<vmem>>) dst(%dma_wait3A_40 : memref<32x512xf32, #tpu.memory_space<hbm>>)
    return
  }
}

</mosaic_0001>

<sc_bundles>
// kernel: kernel.3.cloned.1.call-start
scs
__scs_entry_jumppad:
0x0: {  	(pc) =	sbr.rel $0x88, $3  }
0x1: {  	(tag) =	ssettag $0x0;
	lr =	simm.s32 $0x1  }
0x2: {  	[smem:$0x3FA0] =	sst lr;
	_ =	strace $0xD0000000  }
0x3: {  	_ = 	snop  }
0x4: {  	_ = 	snop  }
0x5: {  	_ = 	snop  }
0x6: {  	_ = 	snop  }
0x7: {  	_ = 	snop  }
__scs_overlays_trampoline_lowered:
0x8: {  	[smem:$0x3FAF] =	sst s0  }
0x9: {  	[smem:$0x3FB0] =	sst s1  }
0xa: {  	[smem:$0x3FB1] =	sst s2  }
0xb: {  	[smem:$0x3FB2] =	sst s3  }
0xc: {  	[smem:$0x3FB3] =	sst s4  }
0xd: {  	[smem:$0x3FB4] =	sst s5  }
0xe: {  	[smem:$0x3FB5] =	sst s6  }
0xf: {  	[smem:$0x3FB6] =	sst s7  }
0x10: {  	[smem:$0x3FB7] =	sst s8  }
0x11: {  	[smem:$0x3FB8] =	sst s9;
	s0 =	simm.s32 @!p0 $0x0  }
0x12: {  	s1 =	sld [smem:$0x3F9E];
	s0 =	simm.s32 @p0 $0x1  }
0x13: {  	[smem:$0x3FB9] =	sst s0;
	s0 =	simm.s32 @!p1 $0x0  }
0x14: {  	s2 =	sld [smem:$0x3F9D];
	s0 =	simm.s32 @p1 $0x1  }
0x15: {  	[smem:$0x3FBA] =	sst s0;
	s0 =	simm.s32 @!p2 $0x0  }
0x16: {  	s3 =	sld [smem:$0x3FDB];
	s0 =	simm.s32 @p2 $0x1  }
0x17: {  	s4 =	simm.s32 $0x1BF5;
	[smem:$0x3FBC] =	sst s0  }
0x18: {  	s0 =	sld [smem:$0x3F9F];
	_ =	swait.ge [sflag:s4], $0x0  }
0x19: {  	s7 =	sld [smem:$0x3FA0]  }
0x1a: {  	s8 =	sadd.s32 $0xFFFFE003, lr  }
0x1b: {  	s9 =	sadd.s32 $0xFFFFFEF7, lr;
	s5 =	simm.s32 $0xFFFFFFFF;
	p2 =	slt.u32 s8, $0xFFFFF086  }
0x1c: {  	p1 =	slt.u32 s9, $0xF7A;
	s5 =	simm.s32 @!p2 $0x0  }
0x1d: {  	s5 =	simm.s32 @p1 $0x1;
	p0 =	seq.s32 s7, s2  }
0x1e: {  	s7 =	smul.u32 @!p0 $0xF7A, s2;
	p2 =	seq.s32 @!p0 s5, $0x0  }
0x1f: {  	s9 =	smul.u32 $0xF7A, s1;
	s8 =	simm.s32 @!p0 $0x1BF5;
	p2 =	por !p2, p0  }
0x20: {  	[sflag:s8] =	ssyncset.s32 @!p0 $0xFFFFF086;
	s6 =	sadd.s32 @!p0 s3, s7;
	s7 =	simm.s32 @!p0 $0x108  }
0x21: {  	s3 =	sadd.s32 s3, s9;
	s6 =	sadd.s32 @!p0 $0x88, s6;
	s7 =	simm.s32 @p2 $0x1082  }
0x22: {  	[simem:s7], [sflag:s8] =	dma.local @!p0 [hbm:s6], $0xF7A  }
0x23: {  	s9 =	sor.u32 $0xD0000000, s2;
	s6 =	simm.s32 $0x108;
	_ =	swait.ge @!p0 [sflag:s8], $0x0  }
0x24: {  	s3 =	sadd.s32 $0x88, s3;
	s6 =	simm.s32 @!p1 $0x1082;
	[sflag:s4] =	ssyncset.s32 $0xFFFFF086  }
0x25: {  	[simem:s6], [sflag:s4] =	dma.local [hbm:s3], $0xF7A  }
0x26: {  	[smem:$0x3FA0] =	sst s1;
	(tag) =	ssettag s2;
	_ =	strace s9  }
0x27: {  	s1 =	sld [smem:$0x3FB0]  }
0x28: {  	s2 =	sld [smem:$0x3FB1]  }
0x29: {  	s4 =	sld [smem:$0x3FB3]  }
0x2a: {  	p0 =	seq.s32 s5, $0x0;
	s5 =	sld [smem:$0x3FB4]  }
0x2b: {  	s6 =	sld [smem:$0x3FB5]  }
0x2c: {  	s7 =	sld [smem:$0x3FB6]  }
0x2d: {  	s3 =	simm.s32 $0x108;
	s8 =	sld [smem:$0x3FB7]  }
0x2e: {  	s3 =	simm.s32 @!p0 $0x1082;
	s9 =	sld [smem:$0x3FB8]  }
0x2f: {  	lr =	sadd.s32 s0, s3;
	s0 =	sld [smem:$0x3FAF]  }
0x30: {  	s3 =	sld [smem:$0x3FB2]  }
0x31: {  	[smem:$0x3FBB] =	sst s10  }
0x32: {  	s10 =	sld [smem:$0x3FB9];
	_ =	sdelay $0x3  }
0x33: {  	p0 =	seq.s32 s10, $0x1;
	s10 =	sld [smem:$0x3FBB];
	_ =	sdelay $0x3  }
0x34: {  	[smem:$0x3FBB] =	sst s10  }
0x35: {  	s10 =	sld [smem:$0x3FBA];
	_ =	sdelay $0x3  }
0x36: {  	p1 =	seq.s32 s10, $0x1;
	s10 =	sld [smem:$0x3FBB];
	_ =	sdelay $0x3  }
0x37: {  	[smem:$0x3FBB] =	sst s10  }
0x38: {  	s10 =	sld [smem:$0x3FBC]  }
0x39: {  	_ = 	snop;
	(pc) =	sbr.ind lr, $3  }
0x3a: {  	_ = 	snop  }
0x3b: {  	_ = 	snop  }
0x3c: {  	p2 =	seq.s32 s10, $0x1;
	s10 =	sld [smem:$0x3FBB]  }
0x3d: {  	_ =	shalt  }
0x3e: {  	_ =	shalt  }
0x3f: {  	_ =	shalt  }
0x40: {  	_ =	shalt  }
0x41: {  	_ =	shalt  }
0x42: {  	_ =	shalt  }
0x43: {  	_ =	shalt  }
0x44: {  	_ =	shalt  }
0x45: {  	_ =	shalt  }
0x46: {  	_ =	shalt  }
0x47: {  	_ =	shalt  }
0x48: {  	_ =	shalt  }
0x49: {  	_ =	shalt  }
0x4a: {  	_ =	shalt  }
0x4b: {  	_ =	shalt  }
0x4c: {  	_ =	shalt  }
0x4d: {  	_ =	shalt  }
0x4e: {  	_ =	shalt  }
0x4f: {  	_ =	shalt  }
0x50: {  	_ =	shalt  }
0x51: {  	_ =	shalt  }
0x52: {  	_ =	shalt  }
0x53: {  	_ =	shalt  }
0x54: {  	_ =	shalt  }
0x55: {  	_ =	shalt  }
0x56: {  	_ =	shalt  }
0x57: {  	_ =	shalt  }
0x58: {  	_ =	shalt  }
0x59: {  	_ =	shalt  }
0x5a: {  	_ =	shalt  }
0x5b: {  	_ =	shalt  }
0x5c: {  	_ =	shalt  }
0x5d: {  	_ =	shalt  }
0x5e: {  	_ =	shalt  }
0x5f: {  	_ =	shalt  }
0x60: {  	_ =	shalt  }
0x61: {  	_ =	shalt  }
0x62: {  	_ =	shalt  }
0x63: {  	_ =	shalt  }
0x64: {  	_ =	shalt  }
0x65: {  	_ =	shalt  }
0x66: {  	_ =	shalt  }
0x67: {  	_ =	shalt  }
0x68: {  	_ =	shalt  }
0x69: {  	_ =	shalt  }
0x6a: {  	_ =	shalt  }
0x6b: {  	_ =	shalt  }
0x6c: {  	_ =	shalt  }
0x6d: {  	_ =	shalt  }
0x6e: {  	_ =	shalt  }
0x6f: {  	_ =	shalt  }
0x70: {  	_ =	shalt  }
0x71: {  	_ =	shalt  }
0x72: {  	_ =	shalt  }
0x73: {  	_ =	shalt  }
0x74: {  	_ =	shalt  }
0x75: {  	_ =	shalt  }
0x76: {  	_ =	shalt  }
0x77: {  	_ =	shalt  }
0x78: {  	_ =	shalt  }
0x79: {  	_ =	shalt  }
0x7a: {  	_ =	shalt  }
0x7b: {  	_ =	shalt  }
0x7c: {  	_ =	shalt  }
0x7d: {  	_ =	shalt  }
0x7e: {  	_ =	shalt  }
0x7f: {  	_ =	shalt  }
0x80: {  	_ =	shalt  }
0x81: {  	_ =	shalt  }
0x82: {  	_ =	shalt  }
0x83: {  	_ =	shalt  }
0x84: {  	_ =	shalt  }
0x85: {  	_ =	shalt  }
0x86: {  	_ =	shalt  }
0x87: {  	_ =	shalt  }
.Lfunc_end0:
.L_simem_size_0:
called_computation_lowered:
.L_overlay_start_0:
0x88: {  	s2 =	sld [smem:$0x3FD9]  }
0x89: {  	s3 =	sld [smem:$0x3FFE];
	_ =	sdelay $0x1  }
0x8a: {  	s1 =	srdreg.scid  }
0x8b: {  	s0 =	sand.u32 $0x1, s1  }
0x8c: {  	s18 =	sshll.u32 s0, $0xA;
	s2 =	sadd.s32 s3, s2  }
0x8d: {  	s2 =	sadd.s32 s2, s18  }
0x8e: {  	[smem:$0x3FC7] =	sst s2  }
0x8f: {  	_ = 	snop  }
0x90: {  	s2 =	sld [smem:$0x3FC9]  }
0x91: {  	s19 =	sld [smem:$0x3FD0];
	(tm) =	ssettm $0x1  }
0x92: {  	s4 =	sld [smem:$0x3FFB];
	_ =	sdelay $0x3  }
0x93: {  	_ =	strace s4  }
0x94: {  	s4 =	sld [smem:$0x3FFC];
	_ =	sdelay $0x3  }
0x95: {  	_ =	strace s4  }
0x96: {  	s4 =	sld [smem:$0x3FFD];
	_ =	sdelay $0x3  }
0x97: {  	_ =	strace s4  }
0x98: {  	_ =	strace $0x8FFFFFFF  }
0x99: {  	s20 =	sld [smem:$0x3FDB];
	_ =	sdelay $0x1  }
0x9a: {  	s5 =	simm.s32 $_scs_section_size  }
0x9b: {  	s6 =	simm.s32 $_size__tile_overlayer_lowered;
	s7 =	simm.s32 $_tile_overlayer_lowered  }
0x9c: {  	s23 =	simm.s32 $0x1BFF;
	s22 =	sshll.u32 s7, $0x1;
	s4 =	sadd.s32 s5, s20  }
0x9d: {  	s8 =	simm.s32 $0x0;
	s21 =	sshll.u32 s6, $0x1;
	s6 =	sadd.s32 s22, s4  }
0x9e: {  	[timem:s8], [sflag:s23] =	dma.local [hbm:s6], s21  }
0x9f: {  	_ =	swait.ge [sflag:s23], s21  }
0xa0: {  	s5 =	ssub.s32 $0x0, s21;
	[sflag:s23] =	ssyncset.done $0x0  }
0xa1: {  	[sflag:s23] =	ssyncadd.s32 s5;
	_ =	sdelay $0x1  }
0xa2: {  	s24 =	simm.s32 $0x1B8B  }
0xa3: {  	_ =	swait.ge [sflag:s24], $0x1  }
0xa4: {  	[sflag:s24] =	ssyncset.done $0x0  }
0xa5: {  	s25 =	simm.s32 $0x1B8E;
	[sflag:s24] =	ssyncadd.s32 $0xFFFFFFFF  }
0xa6: {  	s26 =	simm.s32 $execute0_lowered;
	[smem:$0x3FD2] =	sst s25  }
0xa7: {  	s5 =	sshll.u32 s26, $0x1;
	_ =	strace $0x80000046;
	[dreg:$0x1] =	wrdreg $0xFFFFFFFF  }
0xa8: {  	s28 =	simm.s32 $_size_execute0_lowered;
	s4 =	sadd.s32 s4, s5;
	[dreg:$0x0] =	wrdreg $0x0  }
0xa9: {  	s5 =	sshll.u32 s28, $0x1;
	[dreg:$0x2] =	wrdreg s4  }
0xaa: {  	[dreg:$0x3] =	wrdreg s5  }
0xab: {  	[dreg:$0x4] =	wrdreg $0xC0  }
0xac: {  	_ =	task [dreg:s8], $0x5FFFF  }
0xad: {  	[dreg:$0x1] =	wrdreg $0xFFFFFFFF  }
0xae: {  	[dreg:$0x0] =	wrdreg $0x60  }
0xaf: {  	[dreg:$0x2] =	wrdreg s2  }
0xb0: {  	[dreg:$0x3] =	wrdreg s19  }
0xb1: {  	[dreg:$0x4] =	wrdreg $0x9  }
0xb2: {  	_ =	task.clear_ibuf [dreg:s8], $0x5FFFF;
	_ =	strace $0x90000046  }
0xb3: {  	s29 =	simm.s32 $0x9;
	_ =	strace $0x80000048  }
0xb4: {  	_ =	swait.ge [sflag:s29], $0x1  }
0xb5: {  	[sflag:s29] =	ssyncadd.s32 $0xFFFFFFFF  }
0xb6: {  	_ =	strace $0x90000048  }
0xb7: {  	_ =	sfence  }
0xb8: {  	s30 =	sld [smem:$0x0];
	_ =	sdelay $0x2  }
0xb9: {  	s31 =	sshll.u32 s1, $0xD;
	s1 =	sshrl.u32 s1, $0x2  }
0xba: {  	s3 =	sand.u32 $0x4000, s31;
	s1 =	sadd.s32 s1, s30  }
0xbb: {  	s0 =	sor.u32 s3, s0;
	s1 =	sshll.u32 s1, $0x11  }
0xbc: {  	s0 =	sor.u32 s1, s0  }
0xbd: {  	s0 =	sadd.s32 $0x8F2B, s0  }
0xbe: {  	[sflag:s0] =	ssyncadd.remote.s32 $0x1  }
0xbf: {  	_ =	sfence.sel $0xFFFF  }
0xc0: {  	[dreg:$0x0] =	wrdreg $0xFFFFFFFF;
	(pc) =	sbr.abs _section_cstart, $3  }
0xc1: {  	[dreg:$0x1] =	wrdreg $0xFFFFFFFF  }
0xc2: {  	_ =	task.clear_ibuf [dreg:s8], $0x2FFFF;
	_ =	strace $0x9FFFFFFF  }
0xc3: {  	(tm) =	ssettm $0x7FFFFFFF  }
tec
execute0_lowered:
.L_overlay_start_1:
0x0: {  	(tag) =	ssettag $0x1  }
0x1: {  	s2 =	rddreg [dreg:$0x0]  }
0x2: {  	s3 =	rddreg [dreg:$0x1]  }
0x3: {  	s0 =	srdreg.scid;
	s1 =	stileid.u32;
	s4 =	simm.s32 $0x0  }
0x4: {  	s14 =	simm.s32 $0x4000;
	s15 =	simm.s32 $0x1;
	s16 =	simm.s32 $0x8000  }
0x5: {  	s17 =	simm.s32 $0x2;
	s18 =	simm.s32 $0xC000;
	s19 =	simm.s32 $0x3  }
0x6: {  	s20 =	simm.s32 $0x4;
	s21 =	simm.s32 $0x5;
	s22 =	simm.s32 $0x6  }
0x7: {  	s23 =	simm.s32 $0x7;
	s24 =	simm.s32 $0x8;
	s25 =	simm.s32 $0x0  }
0x8: {  	s0 =	sand.u32 $0x1, s0;
	s1 =	sshll.u32 s1, $0x12;
	[smem:$0x7FF] =	sst s4  }
0x9: {  	s5 =	sshll.u32 s0, $0x11;
	s0 =	ssub.s32 $0x2, s0;
	_ =	strace $0x80000047  }
.Ltmp0:
0xa: {  	s1 =	sor.u32 s5, s1;
	s6 =	sshrl.u32 s0, $0x1;
	(pc) =	sbr.rel .LBB2_1-.Ltmp0, $4  }
0xb: {  	s5 =	sadd.s32 s2, s1;
	s0 =	ssub.s32 s0, s6;
	s7 =	sor.u32 $0x1000, s1  }
0xc: {  	s8 =	sor.u32 $0x1800, s1;
	s9 =	sadd.s32 s3, s1;
	s31 =	sadd.s32 $0x800, s5  }
0xd: {  	vm0 =	vcmask $0x3718;
	vm1 =	vcmask $0x1300;
	s10 =	sadd.s32 $0x2000, s5;
	s0 =	smax.u32 s0, $0x1;
	[dreg:$0x3] =	wrdreg s31  }
0xe: {  	v0 =	vlaneseq.u32;
	vm0 =	vmor vm1, vm0;
	s11 =	sadd.s32 $0x2800, s5;
	s13 =	sadd.s32 $0x800, s9;
	[dreg:$0x4] =	wrdreg s0  }
.LBB2_12:
0xf: {  	_ =	swait.ge [sflag:s21], $0x4000  }
0x10: {  	[sflag:s21] =	ssyncset.done $0x0  }
0x11: {  	[sflag:s21] =	ssyncadd.s32 $0xFFFFC000  }
0x12: {  	_ =	swait.ge [sflag:s22], $0x4000  }
0x13: {  	[sflag:s22] =	ssyncset.done $0x0  }
0x14: {  	[sflag:s22] =	ssyncadd.s32 $0xFFFFC000  }
0x15: {  	_ =	swait.ge [sflag:s23], $0x4000  }
0x16: {  	[sflag:s23] =	ssyncset.done $0x0  }
0x17: {  	[sflag:s23] =	ssyncadd.s32 $0xFFFFC000  }
0x18: {  	_ =	swait.ge [sflag:s24], $0x4000  }
0x19: {  	s25 =	sadd.s32 $0x1, s25;
	s0 =	rddreg [dreg:$0x4]  }
0x1a: {  	p0 =	sne.s32 s25, s0  }
.Ltmp1:
0x1b: {  	_ = 	snop;
	(pc) =	sbr.rel @!p0 .LBB2_13-.Ltmp1, $3  }
0x1c: {  	_ =	sdelay $0x1  }
0x1d: {  	[sflag:s24] =	ssyncset.done $0x0  }
0x1e: {  	[sflag:s24] =	ssyncadd.s32 $0xFFFFC000  }
.LBB2_1:
0x1f: {  	[tilespmem:s4], [sflag:$0x1] =	stream.linear.gather [hbm4b:s5+s4], $0x4000, $0x38;
	[tilespmem:$0x10000] =	vst v63  }
0x20: {  	s0 =	rddreg [dreg:$0x3];
	s26 =	simm.s32 $0x0  }
0x21: {  	[tilespmem:s14], [sflag:$0x2] =	stream.linear.gather [hbm4b:s0+s4], $0x4000, $0x38;
	[tilespmem:$0x10000] =	vst v63  }
.LBB2_2:
0x22: {  	_ =	swait.ge [sflag:s15], $0x4000;
	s0 =	simm.s32 $0x0  }
0x23: {  	[sflag:s15] =	ssyncset.done $0x0;
	s1 =	sand.u32 $0x3000, s0;
	s0 =	sand.u32 $0x380, s0  }
0x24: {  	[sflag:s15] =	ssyncadd.s32 $0xFFFFC000;
	s29 =	sor.u32 s0, s1  }
0x25: {  	v1 =	vld [tilespmem:s29+$0x10]  }
0x26: {  	v2 =	vld [tilespmem:s29+$0x20]  }
0x27: {  	v3 =	vld [tilespmem:s29+$0x50]  }
0x28: {  	v4 =	vld [tilespmem:s29+$0x60]  }
0x29: {  	vm1 =	veq.s32 v0, $0xB;
	v5 =	vld [tilespmem:s29+$0x70]  }
0x2a: {  	v6 =	vsel vm1, $0x0, v1;
	v1 =	vld [tilespmem:s29+$0x460]  }
0x2b: {  	vm2 =	veq.s32 v0, $0xA;
	[tilespmem:s29+$0x10] =	vst v6;
	v6 =	vnsel vm0, $0x0, v2;
	v2 =	vld [tilespmem:s29+$0x810]  }
0x2c: {  	vm3 =	veq.s32 v0, $0x4;
	[tilespmem:s29+$0x20] =	vst v6;
	v6 =	vsel vm2, $0x0, v3;
	v3 =	vld [tilespmem:s29+$0x820]  }
0x2d: {  	vm4 =	veq.s32 v0, $0x6;
	[tilespmem:s29+$0x50] =	vst v6;
	v6 =	vsel vm3, $0x0, v4;
	v4 =	vld [tilespmem:s29+$0x850]  }
0x2e: {  	vm5 =	veq.s32 v0, $0xE;
	s28 =	simm.s32 $0x80;
	s0 =	simm.s32 $0x200;
	[tilespmem:s29+$0x60] =	vst v6;
	v6 =	vsel vm4, $0x0, v5;
	v5 =	vld [tilespmem:s29+$0x860]  }
.LBB2_3:
0x2f: {  	s1 =	sand.u32 $0x3000, s0;
	s30 =	sand.u32 $0x380, s28;
	p0 =	sne.s32 s0, $0x3E00;
	[tilespmem:s29+$0x70] =	vst v6;
	v1 =	vsel vm5, $0x0, v1;
	v6 =	vld [tilespmem:s29+$0x870]  }
0x30: {  	s1 =	sor.u32 s30, s1;
	[tilespmem:s29+$0x460] =	vst v1;
	v1 =	vsel vm1, $0x0, v2;
	v2 =	vld [tilespmem:s29+$0xC60]  }
0x31: {  	v7 =	vld [tilespmem:s1+$0x10];
	[tilespmem:s29+$0x810] =	vst v1;
	v1 =	vnsel vm0, $0x0, v3  }
0x32: {  	v3 =	vld [tilespmem:s1+$0x20];
	[tilespmem:s29+$0x820] =	vst v1;
	v1 =	vsel vm2, $0x0, v4  }
0x33: {  	v4 =	vld [tilespmem:s1+$0x50];
	[tilespmem:s29+$0x850] =	vst v1;
	v1 =	vsel vm3, $0x0, v5  }
0x34: {  	v5 =	vld [tilespmem:s1+$0x60];
	[tilespmem:s29+$0x860] =	vst v1;
	v1 =	vsel vm4, $0x0, v6  }
0x35: {  	v6 =	vld [tilespmem:s1+$0x70];
	[tilespmem:s29+$0x870] =	vst v1;
	v2 =	vsel vm5, $0x0, v2  }
.Ltmp2:
0x36: {  	v7 =	vsel vm1, $0x0, v7;
	v1 =	vld [tilespmem:s1+$0x460];
	[tilespmem:s29+$0xC60] =	vst v2;
	s29 =	smov.u32 s1;
	(pc) =	sbr.rel @p0 .LBB2_3-.Ltmp2, $4  }
0x37: {  	[tilespmem:s29+$0x10] =	vst v7;
	v3 =	vnsel vm0, $0x0, v3;
	v2 =	vld [tilespmem:s29+$0x810]  }
0x38: {  	[tilespmem:s29+$0x20] =	vst v3;
	v4 =	vsel vm2, $0x0, v4;
	v3 =	vld [tilespmem:s29+$0x820]  }
0x39: {  	[tilespmem:s29+$0x50] =	vst v4;
	v5 =	vsel vm3, $0x0, v5;
	v4 =	vld [tilespmem:s29+$0x850]  }
0x3a: {  	s28 =	sadd.s32 $0x80, s28;
	s0 =	sadd.s32 $0x200, s0;
	[tilespmem:s29+$0x60] =	vst v5;
	v6 =	vsel vm4, $0x0, v6;
	v5 =	vld [tilespmem:s29+$0x860]  }
0x3b: {  	[tilespmem:s29+$0x70] =	vst v6;
	v1 =	vsel vm5, $0x0, v1;
	v6 =	vld [tilespmem:s29+$0x870]  }
0x3c: {  	[tilespmem:s29+$0x460] =	vst v1;
	v1 =	vsel vm1, $0x0, v2;
	v2 =	vld [tilespmem:s29+$0xC60]  }
0x3d: {  	[tilespmem:s29+$0x810] =	vst v1;
	v1 =	vnsel vm0, $0x0, v3  }
0x3e: {  	[tilespmem:s29+$0x820] =	vst v1;
	v1 =	vsel vm2, $0x0, v4  }
0x3f: {  	[tilespmem:s29+$0x850] =	vst v1;
	v1 =	vsel vm3, $0x0, v5  }
0x40: {  	[tilespmem:s29+$0x860] =	vst v1;
	v1 =	vsel vm4, $0x0, v6  }
0x41: {  	s28 =	sshll.u32 s26, $0xD;
	[tilespmem:s29+$0x870] =	vst v1;
	v1 =	vsel vm5, $0x0, v2  }
0x42: {  	p0 =	seq.s32 s26, $0x0;
	s0 =	sadd.s32 s28, s9;
	[tilespmem:s29+$0xC60] =	vst v1  }
0x43: {  	[hbm4b:s0+s4] =	stream.linear.scatter [tilespmem:s4], [sflag:$0x5], $0x4000, $0x38;
	[tilespmem:$0x10000] =	vst v63  }
0x44: {  	s0 =	simm.s32 @!p0 $0x7  }
0x45: {  	_ =	swait.ge @!p0 [sflag:s0], $0x4000  }
0x46: {  	s30 =	sadd.s32 s7, s28;
	[sflag:s0] =	ssyncset.done @!p0 $0x0  }
0x47: {  	s1 =	simm.s32 $0x0;
	s6 =	sadd.s32 s2, s30;
	[sflag:s0] =	ssyncadd.s32 @!p0 $0xFFFFC000  }
0x48: {  	[tilespmem:s16], [sflag:$0x3] =	stream.linear.gather [hbm4b:s6+s1], $0x4000, $0x38;
	[tilespmem:$0x10000] =	vst v63  }
0x49: {  	_ =	swait.ge [sflag:s17], $0x4000  }
0x4a: {  	s12 =	sand.u32 $0x3000, s1;
	s1 =	sand.u32 $0x380, s1;
	[sflag:s17] =	ssyncset.done $0x0  }
0x4b: {  	s29 =	sor.u32 s1, s12;
	[sflag:s17] =	ssyncadd.s32 $0xFFFFC000  }
0x4c: {  	v1 =	vld [tilespmem:s29+$0x4010]  }
0x4d: {  	v2 =	vld [tilespmem:s29+$0x4020]  }
0x4e: {  	v3 =	vld [tilespmem:s29+$0x4050]  }
0x4f: {  	v4 =	vld [tilespmem:s29+$0x4060]  }
0x50: {  	vm1 =	veq.s32 v0, $0xB;
	v5 =	vld [tilespmem:s29+$0x4070]  }
0x51: {  	v6 =	vsel vm1, $0x0, v1;
	v1 =	vld [tilespmem:s29+$0x4460]  }
0x52: {  	vm2 =	veq.s32 v0, $0xA;
	[tilespmem:s29+$0x4010] =	vst v6;
	v6 =	vnsel vm0, $0x0, v2;
	v2 =	vld [tilespmem:s29+$0x4810]  }
0x53: {  	vm3 =	veq.s32 v0, $0x4;
	[tilespmem:s29+$0x4020] =	vst v6;
	v6 =	vsel vm2, $0x0, v3;
	v3 =	vld [tilespmem:s29+$0x4820]  }
0x54: {  	vm4 =	veq.s32 v0, $0x6;
	[tilespmem:s29+$0x4050] =	vst v6;
	v6 =	vsel vm3, $0x0, v4;
	v4 =	vld [tilespmem:s29+$0x4850]  }
0x55: {  	s31 =	simm.s32 $0x80;
	vm5 =	veq.s32 v0, $0xE;
	s0 =	simm.s32 $0x200;
	[tilespmem:s29+$0x4060] =	vst v6;
	v6 =	vsel vm4, $0x0, v5;
	v5 =	vld [tilespmem:s29+$0x4860]  }
.LBB2_5:
0x56: {  	s1 =	sand.u32 $0x3000, s0;
	s6 =	sand.u32 $0x380, s31;
	p1 =	sne.s32 s0, $0x3E00;
	[tilespmem:s29+$0x4070] =	vst v6;
	v1 =	vsel vm5, $0x0, v1;
	v6 =	vld [tilespmem:s29+$0x4870]  }
0x57: {  	s1 =	sor.u32 s6, s1;
	[tilespmem:s29+$0x4460] =	vst v1;
	v1 =	vsel vm1, $0x0, v2;
	v2 =	vld [tilespmem:s29+$0x4C60]  }
0x58: {  	v7 =	vld [tilespmem:s1+$0x4010];
	[tilespmem:s29+$0x4810] =	vst v1;
	v1 =	vnsel vm0, $0x0, v3  }
0x59: {  	v3 =	vld [tilespmem:s1+$0x4020];
	[tilespmem:s29+$0x4820] =	vst v1;
	v1 =	vsel vm2, $0x0, v4  }
0x5a: {  	v4 =	vld [tilespmem:s1+$0x4050];
	[tilespmem:s29+$0x4850] =	vst v1;
	v1 =	vsel vm3, $0x0, v5  }
0x5b: {  	v5 =	vld [tilespmem:s1+$0x4060];
	[tilespmem:s29+$0x4860] =	vst v1;
	v1 =	vsel vm4, $0x0, v6  }
0x5c: {  	v6 =	vld [tilespmem:s1+$0x4070];
	[tilespmem:s29+$0x4870] =	vst v1;
	v2 =	vsel vm5, $0x0, v2  }
.Ltmp3:
0x5d: {  	v7 =	vsel vm1, $0x0, v7;
	v1 =	vld [tilespmem:s1+$0x4460];
	[tilespmem:s29+$0x4C60] =	vst v2;
	s29 =	smov.u32 s1;
	(pc) =	sbr.rel @p1 .LBB2_5-.Ltmp3, $4  }
0x5e: {  	[tilespmem:s29+$0x4010] =	vst v7;
	v3 =	vnsel vm0, $0x0, v3;
	v2 =	vld [tilespmem:s29+$0x4810]  }
0x5f: {  	[tilespmem:s29+$0x4020] =	vst v3;
	v4 =	vsel vm2, $0x0, v4;
	v3 =	vld [tilespmem:s29+$0x4820]  }
0x60: {  	[tilespmem:s29+$0x4050] =	vst v4;
	v5 =	vsel vm3, $0x0, v5;
	v4 =	vld [tilespmem:s29+$0x4850]  }
0x61: {  	s31 =	sadd.s32 $0x80, s31;
	s0 =	sadd.s32 $0x200, s0;
	[tilespmem:s29+$0x4060] =	vst v5;
	v6 =	vsel vm4, $0x0, v6;
	v5 =	vld [tilespmem:s29+$0x4860]  }
0x62: {  	[tilespmem:s29+$0x4070] =	vst v6;
	v1 =	vsel vm5, $0x0, v1;
	v6 =	vld [tilespmem:s29+$0x4870]  }
0x63: {  	[tilespmem:s29+$0x4460] =	vst v1;
	v1 =	vsel vm1, $0x0, v2;
	v2 =	vld [tilespmem:s29+$0x4C60]  }
0x64: {  	[tilespmem:s29+$0x4810] =	vst v1;
	v1 =	vnsel vm0, $0x0, v3  }
0x65: {  	[tilespmem:s29+$0x4820] =	vst v1;
	v1 =	vsel vm2, $0x0, v4  }
0x66: {  	[tilespmem:s29+$0x4850] =	vst v1;
	v1 =	vsel vm3, $0x0, v5  }
0x67: {  	[tilespmem:s29+$0x4860] =	vst v1;
	v1 =	vsel vm4, $0x0, v6  }
0x68: {  	[tilespmem:s29+$0x4870] =	vst v1;
	v1 =	vsel vm5, $0x0, v2  }
0x69: {  	s0 =	sadd.s32 s13, s28;
	[tilespmem:s29+$0x4C60] =	vst v1  }
0x6a: {  	[hbm4b:s0+s4] =	stream.linear.scatter [tilespmem:s14], [sflag:$0x6], $0x4000, $0x38;
	[tilespmem:$0x10000] =	vst v63  }
0x6b: {  	s0 =	simm.s32 @!p0 $0x8  }
0x6c: {  	_ =	swait.ge @!p0 [sflag:s0], $0x4000  }
0x6d: {  	s29 =	sadd.s32 s8, s28;
	[sflag:s0] =	ssyncset.done @!p0 $0x0  }
0x6e: {  	s1 =	simm.s32 $0x0;
	s6 =	sadd.s32 s2, s29;
	[sflag:s0] =	ssyncadd.s32 @!p0 $0xFFFFC000  }
0x6f: {  	[tilespmem:s18], [sflag:$0x4] =	stream.linear.gather [hbm4b:s6+s1], $0x4000, $0x38;
	[tilespmem:$0x10000] =	vst v63  }
0x70: {  	_ =	swait.ge [sflag:s19], $0x4000  }
0x71: {  	s12 =	sand.u32 $0x3000, s1;
	s1 =	sand.u32 $0x380, s1;
	[sflag:s19] =	ssyncset.done $0x0  }
0x72: {  	s31 =	sor.u32 s1, s12;
	[sflag:s19] =	ssyncadd.s32 $0xFFFFC000  }
0x73: {  	v1 =	vld [tilespmem:s31+$0x8010]  }
0x74: {  	v2 =	vld [tilespmem:s31+$0x8020]  }
0x75: {  	v3 =	vld [tilespmem:s31+$0x8050]  }
0x76: {  	v4 =	vld [tilespmem:s31+$0x8060]  }
0x77: {  	vm1 =	veq.s32 v0, $0xB;
	v5 =	vld [tilespmem:s31+$0x8070]  }
0x78: {  	v6 =	vsel vm1, $0x0, v1;
	v1 =	vld [tilespmem:s31+$0x8460]  }
0x79: {  	vm2 =	veq.s32 v0, $0xA;
	[tilespmem:s31+$0x8010] =	vst v6;
	v6 =	vnsel vm0, $0x0, v2;
	v2 =	vld [tilespmem:s31+$0x8810]  }
0x7a: {  	vm3 =	veq.s32 v0, $0x4;
	[tilespmem:s31+$0x8020] =	vst v6;
	v6 =	vsel vm2, $0x0, v3;
	v3 =	vld [tilespmem:s31+$0x8820]  }
0x7b: {  	vm4 =	veq.s32 v0, $0x6;
	[tilespmem:s31+$0x8050] =	vst v6;
	v6 =	vsel vm3, $0x0, v4;
	v4 =	vld [tilespmem:s31+$0x8850]  }
0x7c: {  	vm5 =	veq.s32 v0, $0xE;
	s0 =	simm.s32 $0x80;
	s1 =	simm.s32 $0x200;
	[tilespmem:s31+$0x8060] =	vst v6;
	v6 =	vsel vm4, $0x0, v5;
	v5 =	vld [tilespmem:s31+$0x8860]  }
.LBB2_7:
0x7d: {  	s6 =	sand.u32 $0x3000, s1;
	s12 =	sand.u32 $0x380, s0;
	p0 =	sne.s32 s1, $0x3E00;
	[tilespmem:s31+$0x8070] =	vst v6;
	v1 =	vsel vm5, $0x0, v1;
	v6 =	vld [tilespmem:s31+$0x8870]  }
0x7e: {  	s6 =	sor.u32 s12, s6;
	[tilespmem:s31+$0x8460] =	vst v1;
	v1 =	vsel vm1, $0x0, v2;
	v2 =	vld [tilespmem:s31+$0x8C60]  }
0x7f: {  	v7 =	vld [tilespmem:s6+$0x8010];
	[tilespmem:s31+$0x8810] =	vst v1;
	v1 =	vnsel vm0, $0x0, v3  }
0x80: {  	v3 =	vld [tilespmem:s6+$0x8020];
	[tilespmem:s31+$0x8820] =	vst v1;
	v1 =	vsel vm2, $0x0, v4  }
0x81: {  	v4 =	vld [tilespmem:s6+$0x8050];
	[tilespmem:s31+$0x8850] =	vst v1;
	v1 =	vsel vm3, $0x0, v5  }
0x82: {  	v5 =	vld [tilespmem:s6+$0x8060];
	[tilespmem:s31+$0x8860] =	vst v1;
	v1 =	vsel vm4, $0x0, v6  }
0x83: {  	v6 =	vld [tilespmem:s6+$0x8070];
	[tilespmem:s31+$0x8870] =	vst v1;
	v2 =	vsel vm5, $0x0, v2  }
.Ltmp4:
0x84: {  	v7 =	vsel vm1, $0x0, v7;
	v1 =	vld [tilespmem:s6+$0x8460];
	[tilespmem:s31+$0x8C60] =	vst v2;
	s31 =	smov.u32 s6;
	(pc) =	sbr.rel @p0 .LBB2_7-.Ltmp4, $4  }
0x85: {  	[tilespmem:s31+$0x8010] =	vst v7;
	v3 =	vnsel vm0, $0x0, v3;
	v2 =	vld [tilespmem:s31+$0x8810]  }
0x86: {  	[tilespmem:s31+$0x8020] =	vst v3;
	v4 =	vsel vm2, $0x0, v4;
	v3 =	vld [tilespmem:s31+$0x8820]  }
0x87: {  	[tilespmem:s31+$0x8050] =	vst v4;
	v5 =	vsel vm3, $0x0, v5;
	v4 =	vld [tilespmem:s31+$0x8850]  }
0x88: {  	s0 =	sadd.s32 $0x80, s0;
	s1 =	sadd.s32 $0x200, s1;
	[tilespmem:s31+$0x8060] =	vst v5;
	v6 =	vsel vm4, $0x0, v6;
	v5 =	vld [tilespmem:s31+$0x8860]  }
0x89: {  	[tilespmem:s31+$0x8070] =	vst v6;
	v1 =	vsel vm5, $0x0, v1;
	v6 =	vld [tilespmem:s31+$0x8870]  }
0x8a: {  	[tilespmem:s31+$0x8460] =	vst v1;
	v1 =	vsel vm1, $0x0, v2;
	v2 =	vld [tilespmem:s31+$0x8C60]  }
0x8b: {  	[tilespmem:s31+$0x8810] =	vst v1;
	v1 =	vnsel vm0, $0x0, v3  }
0x8c: {  	[tilespmem:s31+$0x8820] =	vst v1;
	v1 =	vsel vm2, $0x0, v4  }
0x8d: {  	[tilespmem:s31+$0x8850] =	vst v1;
	v1 =	vsel vm3, $0x0, v5  }
0x8e: {  	[tilespmem:s31+$0x8860] =	vst v1;
	v1 =	vsel vm4, $0x0, v6  }
0x8f: {  	[tilespmem:s31+$0x8870] =	vst v1;
	v1 =	vsel vm5, $0x0, v2  }
0x90: {  	s0 =	sadd.s32 s3, s30;
	p0 =	seq.s32 s26, $0xF;
	[tilespmem:s31+$0x8C60] =	vst v1  }
0x91: {  	[hbm4b:s0+s4] =	stream.linear.scatter [tilespmem:s16], [sflag:$0x7], $0x4000, $0x38;
	[tilespmem:$0x10000] =	vst v63  }
0x92: {  	s0 =	simm.s32 @!p0 $0x5  }
0x93: {  	_ =	swait.ge @!p0 [sflag:s0], $0x4000  }
0x94: {  	[sflag:s0] =	ssyncset.done @!p0 $0x0  }
0x95: {  	s1 =	simm.s32 @!p0 $0x0;
	[sflag:s0] =	ssyncadd.s32 @!p0 $0xFFFFC000;
	s0 =	sadd.s32 @!p0 s28, s10  }
0x96: {  	[tilespmem:s1], [sflag:$0x1] =	stream.linear.gather @!p0 [hbm4b:s0+s1], $0x4000, $0x38;
	[tilespmem:$0x10000] =	vst v63  }
0x97: {  	s12 =	simm.s32 $0x0;
	_ =	swait.ge [sflag:s20], $0x4000  }
0x98: {  	s31 =	sand.u32 $0x3000, s12;
	s0 =	sand.u32 $0x380, s12;
	[sflag:s20] =	ssyncset.done $0x0  }
0x99: {  	s30 =	sor.u32 s0, s31;
	[sflag:s20] =	ssyncadd.s32 $0xFFFFC000  }
0x9a: {  	v1 =	vld [tilespmem:s30+$0xC010]  }
0x9b: {  	v2 =	vld [tilespmem:s30+$0xC020]  }
0x9c: {  	v3 =	vld [tilespmem:s30+$0xC050]  }
0x9d: {  	v4 =	vld [tilespmem:s30+$0xC060]  }
0x9e: {  	vm1 =	veq.s32 v0, $0xB;
	v5 =	vld [tilespmem:s30+$0xC070]  }
0x9f: {  	v6 =	vsel vm1, $0x0, v1;
	v1 =	vld [tilespmem:s30+$0xC460]  }
0xa0: {  	vm2 =	veq.s32 v0, $0xA;
	[tilespmem:s30+$0xC010] =	vst v6;
	v6 =	vnsel vm0, $0x0, v2;
	v2 =	vld [tilespmem:s30+$0xC810]  }
0xa1: {  	vm3 =	veq.s32 v0, $0x4;
	[tilespmem:s30+$0xC020] =	vst v6;
	v6 =	vsel vm2, $0x0, v3;
	v3 =	vld [tilespmem:s30+$0xC820]  }
0xa2: {  	vm4 =	veq.s32 v0, $0x6;
	[tilespmem:s30+$0xC050] =	vst v6;
	v6 =	vsel vm3, $0x0, v4;
	v4 =	vld [tilespmem:s30+$0xC850]  }
0xa3: {  	vm5 =	veq.s32 v0, $0xE;
	s1 =	simm.s32 $0x200;
	s0 =	simm.s32 $0x80;
	[tilespmem:s30+$0xC060] =	vst v6;
	v6 =	vsel vm4, $0x0, v5;
	v5 =	vld [tilespmem:s30+$0xC860]  }
.LBB2_9:
0xa4: {  	s6 =	sand.u32 $0x3000, s1;
	s12 =	sand.u32 $0x380, s0;
	p1 =	sne.s32 s1, $0x3E00;
	[tilespmem:s30+$0xC070] =	vst v6;
	v1 =	vsel vm5, $0x0, v1;
	v6 =	vld [tilespmem:s30+$0xC870]  }
0xa5: {  	s6 =	sor.u32 s12, s6;
	[tilespmem:s30+$0xC460] =	vst v1;
	v1 =	vsel vm1, $0x0, v2;
	v2 =	vld [tilespmem:s30+$0xCC60]  }
0xa6: {  	v7 =	vld [tilespmem:s6+$0xC010];
	[tilespmem:s30+$0xC810] =	vst v1;
	v1 =	vnsel vm0, $0x0, v3  }
0xa7: {  	v3 =	vld [tilespmem:s6+$0xC020];
	[tilespmem:s30+$0xC820] =	vst v1;
	v1 =	vsel vm2, $0x0, v4  }
0xa8: {  	v4 =	vld [tilespmem:s6+$0xC050];
	[tilespmem:s30+$0xC850] =	vst v1;
	v1 =	vsel vm3, $0x0, v5  }
0xa9: {  	v5 =	vld [tilespmem:s6+$0xC060];
	[tilespmem:s30+$0xC860] =	vst v1;
	v1 =	vsel vm4, $0x0, v6  }
0xaa: {  	v6 =	vld [tilespmem:s6+$0xC070];
	[tilespmem:s30+$0xC870] =	vst v1;
	v2 =	vsel vm5, $0x0, v2  }
.Ltmp5:
0xab: {  	v7 =	vsel vm1, $0x0, v7;
	v1 =	vld [tilespmem:s6+$0xC460];
	[tilespmem:s30+$0xCC60] =	vst v2;
	s30 =	smov.u32 s6;
	(pc) =	sbr.rel @p1 .LBB2_9-.Ltmp5, $4  }
0xac: {  	[tilespmem:s30+$0xC010] =	vst v7;
	v3 =	vnsel vm0, $0x0, v3;
	v2 =	vld [tilespmem:s30+$0xC810]  }
0xad: {  	[tilespmem:s30+$0xC020] =	vst v3;
	v4 =	vsel vm2, $0x0, v4;
	v3 =	vld [tilespmem:s30+$0xC820]  }
0xae: {  	[tilespmem:s30+$0xC050] =	vst v4;
	v5 =	vsel vm3, $0x0, v5;
	v4 =	vld [tilespmem:s30+$0xC850]  }
0xaf: {  	s0 =	sadd.s32 $0x80, s0;
	s1 =	sadd.s32 $0x200, s1;
	[tilespmem:s30+$0xC060] =	vst v5;
	v6 =	vsel vm4, $0x0, v6;
	v5 =	vld [tilespmem:s30+$0xC860]  }
0xb0: {  	[tilespmem:s30+$0xC070] =	vst v6;
	v1 =	vsel vm5, $0x0, v1;
	v63 =	vld [tilespmem:s30+$0xC870]  }
0xb1: {  	[tilespmem:s30+$0xC460] =	vst v1;
	v1 =	vsel vm1, $0x0, v2;
	v2 =	vld [tilespmem:s30+$0xCC60]  }
0xb2: {  	[tilespmem:s30+$0xC810] =	vst v1;
	v1 =	vnsel vm0, $0x0, v3  }
0xb3: {  	[tilespmem:s30+$0xC820] =	vst v1;
	v1 =	vsel vm2, $0x0, v4  }
.Ltmp6:
0xb4: {  	[tilespmem:s30+$0xC850] =	vst v1;
	v1 =	vsel vm3, $0x0, v5;
	(pc) =	sbr.rel @p0 .LBB2_12-.Ltmp6, $4  }
0xb5: {  	[tilespmem:s30+$0xC860] =	vst v1;
	v1 =	vsel vm4, $0x0, v63  }
0xb6: {  	[tilespmem:s30+$0xC870] =	vst v1;
	v1 =	vsel vm5, $0x0, v2  }
0xb7: {  	s0 =	sadd.s32 s3, s29;
	[tilespmem:s30+$0xCC60] =	vst v1  }
0xb8: {  	[hbm4b:s0+s4] =	stream.linear.scatter [tilespmem:s18], [sflag:$0x8], $0x4000, $0x38;
	[tilespmem:$0x10000] =	vst v63  }
.Ltmp7:
0xb9: {  	(pc) =	sbr.rel .LBB2_2-.Ltmp7, $4  }
0xba: {  	_ =	swait.ge [sflag:s22], $0x4000  }
0xbb: {  	[sflag:s22] =	ssyncset.done $0x0  }
0xbc: {  	s0 =	sadd.s32 s28, s11;
	s26 =	sadd.s32 $0x1, s26;
	[sflag:s22] =	ssyncadd.s32 $0xFFFFC000  }
0xbd: {  	[tilespmem:s14], [sflag:$0x2] =	stream.linear.gather [hbm4b:s0+s4], $0x4000, $0x38;
	[tilespmem:$0x10000] =	vst v63  }
.LBB2_13:
0xbe: {  	_ =	sfence.sel $0x180000  }
0xbf: {  	[bflag:$0x0] =	sbarrier.arrive $0xFFFF  }
0xc0: {  	_ =	strace $0x90000047  }
0xc1: {  	s0 =	stileid.u32;
	[bflag:$0x2] =	sbarrier.arrive $0xFFFF  }
0xc2: {  	p0 =	sne.s32 s0, $0x0;
	s0 =	rddreg [dreg:$0x2]  }
0xc3: {  	s0 =	sadd.s32 @!p0 $0x100000, s0  }
0xc4: {  	[sflag:s0] =	ssyncadd.tile.s32 @!p0 $0x1;
	_ =	shalt  }
.Lfunc_end2:
_tile_overlayer_lowered:
.L_overlay_start_2:
0xc5: {  	(tag) =	ssettag $0x2  }
0xc6: {  	s0 =	rddreg [dreg:$0x0];
	s2 =	stileid.u32  }
0xc7: {  	s1 =	rddreg [dreg:$0x1];
	p0 =	sne.s32 s2, $0x0  }
0xc8: {  	s3 =	rddreg [dreg:$0x2];
	[bflag:$0x3] =	sbarrier.arrive $0xFFFF;
	s2 =	simm.s32 @!p0 $0x1C09  }
0xc9: {  	[timem:s3], [sflag:s2] =	dma.local @!p0 [hbm:s0], s1  }
0xca: {  	s0 =	simm.s32 @!p0 $0x9  }
0xcb: {  	_ =	swait.ge @!p0 [sflag:s0], s1  }
0xcc: {  	s1 =	ssub.s32 @!p0 $0x0, s1;
	[sflag:s0] =	ssyncset.done @!p0 $0x0  }
0xcd: {  	[sflag:s0] =	ssyncadd.s32 @!p0 s1  }
0xce: {  	[bflag:$0x3] =	sbarrier.arrive $0xFFFF  }
0xcf: {  	_ =	shalt  }

</sc_bundles>
